<compile_context>
chip_gen: v7x
topology: tpu7x:2x2x1
jax: 0.10.2.dev20260603
libtpu: 0.0.44.dev20260713+nightly
codegen_flags: <defaults>
</compile_context>

<pallas_src>
import functools

import jax
import jax.numpy as jnp
from jax import lax
from jax.experimental import pallas as pl
from jax.experimental.pallas import tpu as pltpu
from jax.experimental.pallas import tpu_sc as plsc

NPTS = 10000
KNN_K = 16
BN_EPS = 1e-5

SC_CORES = 2
SC_SUBCORES = 16
NWORK = SC_CORES * SC_SUBCORES
NPAD = 10240
BPW = NPAD // NWORK
GP = 8
NCHUNK = BPW // GP

ECHUNK = 128

QT = 128
CP = 10240
BS = 128
NB = CP // BS
SGS = 1024
NSG = CP // SGS
HEADS = 5
PAD_COORD = 1e9


def _knn_dist_slice(p_ref, qt_ref, sg):
    sl = pl.ds(sg * SGS, SGS)
    px = p_ref[sl, 0:1]
    py = p_ref[sl, 1:2]
    pz = p_ref[sl, 2:3]
    qx = qt_ref[0:1, :]
    qy = qt_ref[1:2, :]
    qz = qt_ref[2:3, :]
    dx = px - qx
    dy = py - qy
    dz = pz - qz
    return dx * dx + dy * dy + dz * dz


def _knn_body(p_ref, qt_ref, idx_ref, d_ref, hv_ref, hi_ref):
    inf = jnp.float32(jnp.inf)
    big_i = jnp.int32(1 << 30)

    def build_sg(sg, _):
        d_ref[pl.ds(sg * SGS, SGS), :] = _knn_dist_slice(p_ref, qt_ref, sg)
        return ()

    lax.fori_loop(0, NSG, build_sg, ())

    def head_round(r, _):
        def head_sg(sg, _):
            sl = pl.ds(sg * SGS, SGS)
            dsg = d_ref[sl, :]
            v3 = dsg.reshape(SGS // BS, BS, QT)
            bm = jnp.min(v3, axis=1)
            bmb = jnp.broadcast_to(bm[:, None, :], (SGS // BS, BS, QT))
            bmb = bmb.reshape(SGS, QT)
            gcol = sg * SGS + lax.broadcasted_iota(jnp.int32, (SGS, QT), 0)
            cand = jnp.where(dsg == bmb, gcol, big_i)
            pos = jnp.min(cand.reshape(SGS // BS, BS, QT), axis=1)
            posb = jnp.broadcast_to(pos[:, None, :], (SGS // BS, BS, QT))
            posb = posb.reshape(SGS, QT)
            d_ref[sl, :] = jnp.where(gcol == posb, inf, dsg)
            hsl = pl.ds(r * NB + sg * (SGS // BS), SGS // BS)
            hv_ref[hsl, :] = bm
            hi_ref[hsl, :] = pos
            return ()

        lax.fori_loop(0, NSG, head_sg, ())
        return ()

    lax.fori_loop(0, HEADS, head_round, ())

    row16 = lax.broadcasted_iota(jnp.int32, (KNN_K, QT), 0)
    hrank = lax.broadcasted_iota(jnp.int32, (HEADS * NB, QT), 0) // NB

    def sel_pass(k, carry):
        idx_acc, exfl = carry
        hv = hv_ref[...]
        hi = hi_ref[...]
        m = jnp.min(hv, axis=0, keepdims=True)
        sel = hv == m
        cand = jnp.where(sel, hi, big_i)
        amin = jnp.min(cand, axis=0, keepdims=True)
        taken = hi == amin
        idx_acc = jnp.where(row16 == k, jnp.broadcast_to(amin, (KNN_K, QT)),
                            idx_acc)
        selr = jnp.max(jnp.where(taken & sel, hrank, -1), axis=0,
                       keepdims=True)
        exfl = jnp.maximum(exfl, selr)
        hv_ref[...] = jnp.where(taken, inf, hv)
        return idx_acc, exfl

    idx0 = jnp.zeros((KNN_K, QT), jnp.int32)
    ex0 = jnp.full((1, QT), -1, jnp.int32)
    idx_acc, exfl = lax.fori_loop(0, KNN_K, sel_pass, (idx0, ex0))
    idx_ref[...] = idx_acc

    @pl.when(jnp.max(exfl) >= HEADS - 1)
    def _():
        def rebuild_sg(sg, _):
            d_ref[pl.ds(sg * SGS, SGS), :] = _knn_dist_slice(p_ref, qt_ref, sg)
            return ()

        lax.fori_loop(0, NSG, rebuild_sg, ())
        gcol = lax.broadcasted_iota(jnp.int32, (CP, QT), 0)

        def fb_pass(k, idx_acc):
            d = d_ref[...]
            m = jnp.min(d, axis=0, keepdims=True)
            cand = jnp.where(d == m, gcol, big_i)
            amin = jnp.min(cand, axis=0, keepdims=True)
            idx_acc = jnp.where(row16 == k,
                                jnp.broadcast_to(amin, (KNN_K, QT)), idx_acc)
            d_ref[...] = jnp.where(gcol == amin, inf, d)
            return idx_acc

        idx_fb = lax.fori_loop(0, KNN_K, fb_pass, idx0)
        idx_ref[...] = idx_fb


def _knn(pos_pad, pos_t_pad):
    return pl.pallas_call(
        _knn_body,
        grid=(CP // QT,),
        in_specs=[
            pl.BlockSpec((CP, 3), lambda i: (0, 0)),
            pl.BlockSpec((3, QT), lambda i: (0, i)),
        ],
        out_specs=pl.BlockSpec((KNN_K, QT), lambda i: (0, i)),
        out_shape=jax.ShapeDtypeStruct((KNN_K, CP), jnp.int32),
        scratch_shapes=[
            pltpu.VMEM((CP, QT), jnp.float32),
            pltpu.VMEM((HEADS * NB, QT), jnp.float32),
            pltpu.VMEM((HEADS * NB, QT), jnp.int32),
        ],
    )(pos_pad, pos_t_pad)



def _make_sc_gather(c):
    mesh = plsc.VectorSubcoreMesh(core_axis_name="c", subcore_axis_name="s")

    gp2 = 32
    nch2 = BPW // gp2
    nxfer = gp2 * KNN_K // 128

    @functools.partial(
        pl.kernel,
        mesh=mesh,
        compiler_params=pltpu.CompilerParams(use_tc_tiling_on_sc=False),
        out_type=jax.ShapeDtypeStruct((NPAD * KNN_K, c), jnp.float32),
        scratch_types=[
            pltpu.VMEM((BPW * KNN_K,), jnp.int32),
            pltpu.VMEM((gp2 * KNN_K, c), jnp.float32),
            pltpu.SemaphoreType.DMA,
        ],
    )
    def kern(x_hbm, idxf_hbm, out_hbm, idx_v, rows_v, sem):
        wid = lax.axis_index("s") * SC_CORES + lax.axis_index("c")
        base_w = wid * BPW * KNN_K
        pltpu.sync_copy(idxf_hbm.at[pl.ds(base_w, BPW * KNN_K)], idx_v)

        def chunk_body(ci, _):
            base = ci * gp2 * KNN_K
            cps = [
                pltpu.async_copy(
                    x_hbm.at[idx_v.at[pl.ds(base + s * 128, 128)]],
                    rows_v.at[pl.ds(s * 128, 128)], sem)
                for s in range(nxfer)
            ]
            for cp in cps:
                cp.wait()
            pltpu.sync_copy(rows_v, out_hbm.at[pl.ds(base_w + base, gp2 * KNN_K)])
            return ()

        lax.fori_loop(0, nch2, chunk_body, ())

    return kern



def _econv_body(x_ref, xg_ref, wa_ref, wb_ref, b_ref,
                mx_ref, sh_ref, sh2_ref):
    i = pl.program_id(0)
    c = x_ref.shape[1]
    d = wa_ref.shape[1]
    xi = x_ref[...]
    xi3 = jnp.broadcast_to(xi[:, None, :], (ECHUNK, KNN_K, c))
    dvec = xg_ref[...] - xi3.reshape(ECHUNK * KNN_K, c)
    p = jnp.dot(xi, wa_ref[...], preferred_element_type=jnp.float32)
    e = jnp.dot(dvec, wb_ref[...], preferred_element_type=jnp.float32)
    h = (e.reshape(ECHUNK, KNN_K, d) + p[:, None, :]) + b_ref[...][None]
    mx_ref[...] = jnp.max(h, axis=1)
    node = i * ECHUNK + lax.broadcasted_iota(jnp.int32, (ECHUNK, KNN_K, d), 0)
    hv = jnp.where(node < NPTS, h, 0.0)
    psum = jnp.sum(hv, axis=(0, 1), keepdims=False)[None]
    psum2 = jnp.sum(hv * hv, axis=(0, 1), keepdims=False)[None]

    @pl.when(i == 0)
    def _():
        sh_ref[...] = jnp.zeros_like(sh_ref)
        sh2_ref[...] = jnp.zeros_like(sh2_ref)

    sh_ref[...] += psum
    sh2_ref[...] += psum2


def _econv(x_pad, xgather, wa, wb, b):
    c = x_pad.shape[1]
    d = wa.shape[1]
    return pl.pallas_call(
        _econv_body,
        grid=(NPAD // ECHUNK,),
        in_specs=[
            pl.BlockSpec((ECHUNK, c), lambda i: (i, 0)),
            pl.BlockSpec((ECHUNK * KNN_K, c), lambda i: (i, 0)),
            pl.BlockSpec((c, d), lambda i: (0, 0)),
            pl.BlockSpec((c, d), lambda i: (0, 0)),
            pl.BlockSpec((1, d), lambda i: (0, 0)),
        ],
        out_specs=[
            pl.BlockSpec((ECHUNK, d), lambda i: (i, 0)),
            pl.BlockSpec((1, d), lambda i: (0, 0)),
            pl.BlockSpec((1, d), lambda i: (0, 0)),
        ],
        out_shape=[
            jax.ShapeDtypeStruct((NPAD, d), jnp.float32),
            jax.ShapeDtypeStruct((1, d), jnp.float32),
            jax.ShapeDtypeStruct((1, d), jnp.float32),
        ],
    )(x_pad, xgather, wa, wb, b)



def _combine_body(mx_ref, sh_ref, sh2_ref, g_ref, be_ref, o_ref):
    cnt = jnp.float32(NPTS * KNN_K)
    mu = sh_ref[...] / cnt
    ex2 = sh2_ref[...] / cnt
    var = ex2 - mu * mu
    scale = g_ref[...] * lax.rsqrt(var + BN_EPS)
    o_ref[...] = jnp.maximum((mx_ref[...] - mu) * scale + be_ref[...], 0.0)


def _combine(maxh, sh, sh2, g, be, rows_chunk=2000):
    n, d = maxh.shape
    return pl.pallas_call(
        _combine_body,
        grid=(n // rows_chunk,),
        in_specs=[
            pl.BlockSpec((rows_chunk, d), lambda i: (i, 0)),
            pl.BlockSpec((1, d), lambda i: (0, 0)),
            pl.BlockSpec((1, d), lambda i: (0, 0)),
            pl.BlockSpec((1, d), lambda i: (0, 0)),
            pl.BlockSpec((1, d), lambda i: (0, 0)),
        ],
        out_specs=pl.BlockSpec((rows_chunk, d), lambda i: (i, 0)),
        out_shape=jax.ShapeDtypeStruct((n, d), jnp.float32),
    )(maxh, sh, sh2, g, be)



def _edge_conv_layer(x, idx_flat, w, b, g, be, sc_kern, cpad):
    c = x.shape[1]
    d = w.shape[1]
    wa = jnp.zeros((cpad, d), jnp.float32).at[:c].set(w[:c])
    wb = jnp.zeros((cpad, d), jnp.float32).at[:c].set(w[c:])
    x_pad = jnp.zeros((NPAD, cpad), jnp.float32).at[:NPTS, :c].set(x)
    xgather = sc_kern(x_pad, idx_flat)
    maxh, sh, sh2 = _econv(x_pad, xgather, wa, wb, b[None])
    return _combine(maxh[:NPTS], sh, sh2, g[None], be[None])


def kernel(points, W0, b0, g0, be0, W1, b1, g1, be1):
    pos = points[:, 1:4]
    pos_pad = jnp.full((CP, 3), PAD_COORD, jnp.float32).at[:NPTS].set(pos)
    idx_t = _knn(pos_pad, pos_pad.T)
    idx = idx_t[:, :NPTS].T
    idx_pad = jnp.zeros((NPAD, KNN_K), jnp.int32).at[:NPTS].set(idx)
    idx_flat = idx_pad.reshape(-1)

    feat = points[:, 1:]
    sc16 = _make_sc_gather(16)
    sc32 = _make_sc_gather(32)
    feat = _edge_conv_layer(feat, idx_flat, W0, b0, g0, be0, sc16, 16)
    feat = _edge_conv_layer(feat, idx_flat, W1, b1, g1, be1, sc32, 32)
    return feat

# --- scband reference (transcript-rebuilt; emitter-appended) ---
"""Pipeline reference for scband-res-gcn-36893769072894 (READ-ONLY COPY).

The authoritative reference and input builder live on the scoring server;
editing this copy changes nothing except your own understanding.
"""

import jax, jax.numpy as jnp
import numpy as np

K = 16
EPS = 1e-5


def knn_idx(pos, k):
    # pos: [N, 3]; returns [N, k] neighbor indices (includes self)
    n, d = pos.shape
    chunk = 1000
    def f(q):
        dist = jnp.sum((q[:, None, :] - pos[None, :, :]) ** 2, axis=-1)
        return jax.lax.top_k(-dist, k)[1]
    chunks = pos.reshape(n // chunk, chunk, d)
    idx = jax.lax.map(f, chunks)
    return idx.reshape(n, k)


def edge_conv(x, idx, W, b, g, be):
    # x: [N, C]; idx: [N, K]
    # EdgeConv: max_j relu(BN(Linear(concat(x_i, x_j - x_i))))
    xj = x[idx]                              # gather neighbors [N, K, C]
    xi = jnp.broadcast_to(x[:, None, :], xj.shape)
    e = jnp.concatenate([xi, xj - xi], axis=-1)   # [N, K, 2C]
    h = e @ W + b                            # [N, K, out]
    mu = jnp.mean(h, axis=(0, 1))
    var = jnp.var(h, axis=(0, 1))
    h = (h - mu) / jnp.sqrt(var + EPS) * g + be   # batch norm (training stats)
    h = jax.nn.relu(h)
    return jnp.max(h, axis=1)                # max aggregation over neighbors


def setup_inputs(seed: int = 0):
    key = jax.random.key(seed)
    ks = jax.random.split(key, 3)
    # points: col 0 = batch index (uniform [0,1) -> floors to 0, single batch),
    # cols 1:4 = xyz position, cols 1:5 = 4 input features
    points = jax.random.uniform(ks[0], (10000, 5), dtype=jnp.float32)
    W0 = jax.random.normal(ks[1], (8, 32), dtype=jnp.float32) * 0.1
    b0 = jnp.zeros((32,), jnp.float32)
    g0 = jnp.ones((32,), jnp.float32)
    be0 = jnp.zeros((32,), jnp.float32)
    W1 = jax.random.normal(ks[2], (64, 64), dtype=jnp.float32) * 0.1
    b1 = jnp.zeros((64,), jnp.float32)
    g1 = jnp.ones((64,), jnp.float32)
    be1 = jnp.zeros((64,), jnp.float32)
    return {"points": points, "W0": W0, "b0": b0, "g0": g0, "be0": be0,
            "W1": W1, "b1": b1, "g1": g1, "be1": be1}


def reference(points, W0, b0, g0, be0, W1, b1, g1, be1):
    pos = points[:, 1:4]
    # batch_idx = points[:, 0].astype(int) -> all zeros (single batch), knn over all points
    idx = knn_idx(pos, K)
    feat = points[:, 1:]                     # [N, 4] input features
    feat = edge_conv(feat, idx, W0, b0, g0, be0)   # [N, 32]
    feat = edge_conv(feat, idx, W1, b1, g1, be1)   # [N, 64]
    return feat  # batch_dict['gcn_feature']

if __name__ == "__main__":
    import jax
    _d = setup_inputs()
    print(jax.jit(kernel)(*tuple(_d.values())))

</pallas_src>

<mosaic_0001>
#map = affine_map<(d0, d1) -> (0, 0)>
#map1 = affine_map<(d0, d1) -> (0)>
module attributes {stable_mosaic.version = 14 : i64} {
  func.func @kern(%arg0: i32, %arg1: i32, %arg2: memref<10240x16xf32, #tpu.memory_space<hbm>>, %arg3: memref<163840xi32, #tpu.memory_space<hbm>>, %arg4: memref<163840x16xf32, #tpu.memory_space<hbm>>, %arg5: memref<5120xi32, #tpu.memory_space<vmem>>, %arg6: memref<512x16xf32, #tpu.memory_space<vmem>>, %arg7: memref<!tpu.dma_semaphore, #tpu.memory_space<semaphore_mem>>) attributes {dimension_semantics = [#tpu.dimension_semantics<core_parallel>, #tpu.dimension_semantics<subcore_parallel>], iteration_bounds = array<i64: 2, 16>, scalar_prefetch = 0 : i64, scratch_operands = 3 : i64, tpu.core_type = #tpu.core_type<sc_vector_subcore>, window_params = [{transform_indices = #map}, {transform_indices = #map1}, {transform_indices = #map}]} {
    %mul3A = arith.constant 2 : i32
    %mul3A_0 = arith.muli %arg1, %mul3A : i32
    %add3A = arith.addi %mul3A_0, %arg0 : i32
    %mul3A_1 = arith.constant 320 : i32
    %mul3A_2 = arith.muli %add3A, %mul3A_1 : i32
    %mul3A_3 = arith.constant 16 : i32
    %mul3A_4 = arith.muli %mul3A_2, %mul3A_3 : i32
    "tpu.region"() ({
      %run_scoped3A = tpu.sem_alloc : memref<!tpu.dma_semaphore, #tpu.memory_space<semaphore_mem>>
      %dma_start3A = tpu.memref_slice %arg3[%mul3A_4] : memref<163840xi32, #tpu.memory_space<hbm>> -> memref<5120xi32, #tpu.memory_space<hbm>>
      %dma_start3A_9 = tpu.memref_slice %arg3[%mul3A_4] : memref<163840xi32, #tpu.memory_space<hbm>> -> memref<5120xi32, #tpu.memory_space<hbm>>
      tpu.enqueue_dma source(%dma_start3A_9 : memref<5120xi32, #tpu.memory_space<hbm>>) target(%arg5 : memref<5120xi32, #tpu.memory_space<vmem>>) target_semaphore(%run_scoped3A : memref<!tpu.dma_semaphore, #tpu.memory_space<semaphore_mem>>)
      %dma_wait3A = tpu.memref_slice %arg3[%mul3A_4] : memref<163840xi32, #tpu.memory_space<hbm>> -> memref<5120xi32, #tpu.memory_space<hbm>>
      %dma_wait3A_10 = tpu.memref_slice %arg3[%mul3A_4] : memref<163840xi32, #tpu.memory_space<hbm>> -> memref<5120xi32, #tpu.memory_space<hbm>>
      tpu.wait_dma2 semaphore(%run_scoped3A : memref<!tpu.dma_semaphore, #tpu.memory_space<semaphore_mem>>) src(%dma_wait3A_10 : memref<5120xi32, #tpu.memory_space<hbm>>) dst(%arg5 : memref<5120xi32, #tpu.memory_space<vmem>>)
      tpu.yield
    }) : () -> ()
    %scan3A = arith.constant 0 : i32
    %scan3A_5 = arith.constant 10 : i32
    %scan3A_6 = arith.addi %scan3A, %scan3A_5 : i32
    %scan3A_7 = arith.constant 1 : i32
    scf.for %scan3A_9 = %scan3A to %scan3A_6 step %scan3A_7  : i32 {
      %mul3A_10 = arith.constant 32 : i32
      %mul3A_11 = arith.muli %scan3A_9, %mul3A_10 : i32
      %mul3A_12 = arith.constant 16 : i32
      %mul3A_13 = arith.muli %mul3A_11, %mul3A_12 : i32
      %add3A_14 = arith.constant 0 : i32
      %add3A_15 = arith.addi %mul3A_13, %add3A_14 : i32
      %dma_start3A = arith.constant 0 : i32
      %dma_start3A_16 = arith.constant 0 : i32
      %dma_start3A_17 = tpu.memref_slice %arg6[%dma_start3A, %dma_start3A_16] : memref<512x16xf32, #tpu.memory_space<vmem>> -> memref<128x16xf32, #tpu.memory_space<vmem>>
      %dma_start3A_18 = tpu.memref_slice %arg5[%add3A_15] : memref<5120xi32, #tpu.memory_space<vmem>> -> memref<128xi32, #tpu.memory_space<vmem>>
      %dma_start3A_19 = arith.constant 0 : i32
      %dma_start3A_20 = arith.constant 0 : i32
      %dma_start3A_21 = tpu.memref_slice %arg2[%dma_start3A_19, %dma_start3A_20] : memref<10240x16xf32, #tpu.memory_space<hbm>> -> memref<10240x16xf32, #tpu.memory_space<hbm>>
      tpu.enqueue_indirect_dma source(%dma_start3A_21 : memref<10240x16xf32, #tpu.memory_space<hbm>>) target(%dma_start3A_17 : memref<128x16xf32, #tpu.memory_space<vmem>>) offsets(%dma_start3A_18 : memref<128xi32, #tpu.memory_space<vmem>>) semaphore(%arg7 : memref<!tpu.dma_semaphore, #tpu.memory_space<semaphore_mem>>)
      %add3A_22 = arith.constant 128 : i32
      %add3A_23 = arith.addi %mul3A_13, %add3A_22 : i32
      %dma_start3A_24 = arith.constant 128 : i32
      %dma_start3A_25 = arith.constant 0 : i32
      %dma_start3A_26 = tpu.memref_slice %arg6[%dma_start3A_24, %dma_start3A_25] : memref<512x16xf32, #tpu.memory_space<vmem>> -> memref<128x16xf32, #tpu.memory_space<vmem>>
      %dma_start3A_27 = tpu.memref_slice %arg5[%add3A_23] : memref<5120xi32, #tpu.memory_space<vmem>> -> memref<128xi32, #tpu.memory_space<vmem>>
      %dma_start3A_28 = arith.constant 0 : i32
      %dma_start3A_29 = arith.constant 0 : i32
      %dma_start3A_30 = tpu.memref_slice %arg2[%dma_start3A_28, %dma_start3A_29] : memref<10240x16xf32, #tpu.memory_space<hbm>> -> memref<10240x16xf32, #tpu.memory_space<hbm>>
      tpu.enqueue_indirect_dma source(%dma_start3A_30 : memref<10240x16xf32, #tpu.memory_space<hbm>>) target(%dma_start3A_26 : memref<128x16xf32, #tpu.memory_space<vmem>>) offsets(%dma_start3A_27 : memref<128xi32, #tpu.memory_space<vmem>>) semaphore(%arg7 : memref<!tpu.dma_semaphore, #tpu.memory_space<semaphore_mem>>)
      %add3A_31 = arith.constant 256 : i32
      %add3A_32 = arith.addi %mul3A_13, %add3A_31 : i32
      %dma_start3A_33 = arith.constant 256 : i32
      %dma_start3A_34 = arith.constant 0 : i32
      %dma_start3A_35 = tpu.memref_slice %arg6[%dma_start3A_33, %dma_start3A_34] : memref<512x16xf32, #tpu.memory_space<vmem>> -> memref<128x16xf32, #tpu.memory_space<vmem>>
      %dma_start3A_36 = tpu.memref_slice %arg5[%add3A_32] : memref<5120xi32, #tpu.memory_space<vmem>> -> memref<128xi32, #tpu.memory_space<vmem>>
      %dma_start3A_37 = arith.constant 0 : i32
      %dma_start3A_38 = arith.constant 0 : i32
      %dma_start3A_39 = tpu.memref_slice %arg2[%dma_start3A_37, %dma_start3A_38] : memref<10240x16xf32, #tpu.memory_space<hbm>> -> memref<10240x16xf32, #tpu.memory_space<hbm>>
      tpu.enqueue_indirect_dma source(%dma_start3A_39 : memref<10240x16xf32, #tpu.memory_space<hbm>>) target(%dma_start3A_35 : memref<128x16xf32, #tpu.memory_space<vmem>>) offsets(%dma_start3A_36 : memref<128xi32, #tpu.memory_space<vmem>>) semaphore(%arg7 : memref<!tpu.dma_semaphore, #tpu.memory_space<semaphore_mem>>)
      %add3A_40 = arith.constant 384 : i32
      %add3A_41 = arith.addi %mul3A_13, %add3A_40 : i32
      %dma_start3A_42 = arith.constant 384 : i32
      %dma_start3A_43 = arith.constant 0 : i32
      %dma_start3A_44 = tpu.memref_slice %arg6[%dma_start3A_42, %dma_start3A_43] : memref<512x16xf32, #tpu.memory_space<vmem>> -> memref<128x16xf32, #tpu.memory_space<vmem>>
      %dma_start3A_45 = tpu.memref_slice %arg5[%add3A_41] : memref<5120xi32, #tpu.memory_space<vmem>> -> memref<128xi32, #tpu.memory_space<vmem>>
      %dma_start3A_46 = arith.constant 0 : i32
      %dma_start3A_47 = arith.constant 0 : i32
      %dma_start3A_48 = tpu.memref_slice %arg2[%dma_start3A_46, %dma_start3A_47] : memref<10240x16xf32, #tpu.memory_space<hbm>> -> memref<10240x16xf32, #tpu.memory_space<hbm>>
      tpu.enqueue_indirect_dma source(%dma_start3A_48 : memref<10240x16xf32, #tpu.memory_space<hbm>>) target(%dma_start3A_44 : memref<128x16xf32, #tpu.memory_space<vmem>>) offsets(%dma_start3A_45 : memref<128xi32, #tpu.memory_space<vmem>>) semaphore(%arg7 : memref<!tpu.dma_semaphore, #tpu.memory_space<semaphore_mem>>)
      %dma_wait3A = arith.constant 0 : i32
      %dma_wait3A_49 = arith.constant 0 : i32
      %dma_wait3A_50 = tpu.memref_slice %arg6[%dma_wait3A, %dma_wait3A_49] : memref<512x16xf32, #tpu.memory_space<vmem>> -> memref<128x16xf32, #tpu.memory_space<vmem>>
      %dma_wait3A_51 = tpu.memref_slice %arg5[%add3A_15] : memref<5120xi32, #tpu.memory_space<vmem>> -> memref<128xi32, #tpu.memory_space<vmem>>
      %dma_wait3A_52 = arith.constant 0 : i32
      %dma_wait3A_53 = arith.constant 0 : i32
      %dma_wait3A_54 = tpu.memref_slice %arg2[%dma_wait3A_52, %dma_wait3A_53] : memref<10240x16xf32, #tpu.memory_space<hbm>> -> memref<10240x16xf32, #tpu.memory_space<hbm>>
      tpu.wait_indirect_dma semaphore(%arg7 : memref<!tpu.dma_semaphore, #tpu.memory_space<semaphore_mem>>) src(%dma_wait3A_54 : memref<10240x16xf32, #tpu.memory_space<hbm>>) dst(%dma_wait3A_50 : memref<128x16xf32, #tpu.memory_space<vmem>>)
      %dma_wait3A_55 = arith.constant 128 : i32
      %dma_wait3A_56 = arith.constant 0 : i32
      %dma_wait3A_57 = tpu.memref_slice %arg6[%dma_wait3A_55, %dma_wait3A_56] : memref<512x16xf32, #tpu.memory_space<vmem>> -> memref<128x16xf32, #tpu.memory_space<vmem>>
      %dma_wait3A_58 = tpu.memref_slice %arg5[%add3A_23] : memref<5120xi32, #tpu.memory_space<vmem>> -> memref<128xi32, #tpu.memory_space<vmem>>
      %dma_wait3A_59 = arith.constant 0 : i32
      %dma_wait3A_60 = arith.constant 0 : i32
      %dma_wait3A_61 = tpu.memref_slice %arg2[%dma_wait3A_59, %dma_wait3A_60] : memref<10240x16xf32, #tpu.memory_space<hbm>> -> memref<10240x16xf32, #tpu.memory_space<hbm>>
      tpu.wait_indirect_dma semaphore(%arg7 : memref<!tpu.dma_semaphore, #tpu.memory_space<semaphore_mem>>) src(%dma_wait3A_61 : memref<10240x16xf32, #tpu.memory_space<hbm>>) dst(%dma_wait3A_57 : memref<128x16xf32, #tpu.memory_space<vmem>>)
      %dma_wait3A_62 = arith.constant 256 : i32
      %dma_wait3A_63 = arith.constant 0 : i32
      %dma_wait3A_64 = tpu.memref_slice %arg6[%dma_wait3A_62, %dma_wait3A_63] : memref<512x16xf32, #tpu.memory_space<vmem>> -> memref<128x16xf32, #tpu.memory_space<vmem>>
      %dma_wait3A_65 = tpu.memref_slice %arg5[%add3A_32] : memref<5120xi32, #tpu.memory_space<vmem>> -> memref<128xi32, #tpu.memory_space<vmem>>
      %dma_wait3A_66 = arith.constant 0 : i32
      %dma_wait3A_67 = arith.constant 0 : i32
      %dma_wait3A_68 = tpu.memref_slice %arg2[%dma_wait3A_66, %dma_wait3A_67] : memref<10240x16xf32, #tpu.memory_space<hbm>> -> memref<10240x16xf32, #tpu.memory_space<hbm>>
      tpu.wait_indirect_dma semaphore(%arg7 : memref<!tpu.dma_semaphore, #tpu.memory_space<semaphore_mem>>) src(%dma_wait3A_68 : memref<10240x16xf32, #tpu.memory_space<hbm>>) dst(%dma_wait3A_64 : memref<128x16xf32, #tpu.memory_space<vmem>>)
      %dma_wait3A_69 = arith.constant 384 : i32
      %dma_wait3A_70 = arith.constant 0 : i32
      %dma_wait3A_71 = tpu.memref_slice %arg6[%dma_wait3A_69, %dma_wait3A_70] : memref<512x16xf32, #tpu.memory_space<vmem>> -> memref<128x16xf32, #tpu.memory_space<vmem>>
      %dma_wait3A_72 = tpu.memref_slice %arg5[%add3A_41] : memref<5120xi32, #tpu.memory_space<vmem>> -> memref<128xi32, #tpu.memory_space<vmem>>
      %dma_wait3A_73 = arith.constant 0 : i32
      %dma_wait3A_74 = arith.constant 0 : i32
      %dma_wait3A_75 = tpu.memref_slice %arg2[%dma_wait3A_73, %dma_wait3A_74] : memref<10240x16xf32, #tpu.memory_space<hbm>> -> memref<10240x16xf32, #tpu.memory_space<hbm>>
      tpu.wait_indirect_dma semaphore(%arg7 : memref<!tpu.dma_semaphore, #tpu.memory_space<semaphore_mem>>) src(%dma_wait3A_75 : memref<10240x16xf32, #tpu.memory_space<hbm>>) dst(%dma_wait3A_71 : memref<128x16xf32, #tpu.memory_space<vmem>>)
      %add3A_76 = arith.addi %mul3A_4, %mul3A_13 : i32
      "tpu.region"() ({
        %run_scoped3A = tpu.sem_alloc : memref<!tpu.dma_semaphore, #tpu.memory_space<semaphore_mem>>
        %dma_start3A_77 = arith.constant 0 : i32
        %dma_start3A_78 = tpu.memref_slice %arg4[%add3A_76, %dma_start3A_77] : memref<163840x16xf32, #tpu.memory_space<hbm>> -> memref<512x16xf32, #tpu.memory_space<hbm>>
        %dma_start3A_79 = arith.constant 0 : i32
        %dma_start3A_80 = tpu.memref_slice %arg4[%add3A_76, %dma_start3A_79] : memref<163840x16xf32, #tpu.memory_space<hbm>> -> memref<512x16xf32, #tpu.memory_space<hbm>>
        tpu.enqueue_dma source(%arg6 : memref<512x16xf32, #tpu.memory_space<vmem>>) target(%dma_start3A_80 : memref<512x16xf32, #tpu.memory_space<hbm>>) target_semaphore(%run_scoped3A : memref<!tpu.dma_semaphore, #tpu.memory_space<semaphore_mem>>)
        %dma_wait3A_81 = arith.constant 0 : i32
        %dma_wait3A_82 = tpu.memref_slice %arg4[%add3A_76, %dma_wait3A_81] : memref<163840x16xf32, #tpu.memory_space<hbm>> -> memref<512x16xf32, #tpu.memory_space<hbm>>
        %dma_wait3A_83 = arith.constant 0 : i32
        %dma_wait3A_84 = tpu.memref_slice %arg4[%add3A_76, %dma_wait3A_83] : memref<163840x16xf32, #tpu.memory_space<hbm>> -> memref<512x16xf32, #tpu.memory_space<hbm>>
        tpu.wait_dma2 semaphore(%run_scoped3A : memref<!tpu.dma_semaphore, #tpu.memory_space<semaphore_mem>>) src(%arg6 : memref<512x16xf32, #tpu.memory_space<vmem>>) dst(%dma_wait3A_84 : memref<512x16xf32, #tpu.memory_space<hbm>>)
        tpu.yield
      }) : () -> ()
    }
    %scan3A_8 = arith.constant 10 : i32
    return
  }
}

#map = affine_map<(d0, d1) -> (0, 0)>
#map1 = affine_map<(d0, d1) -> (0)>
module attributes {stable_mosaic.version = 14 : i64} {
  func.func @kern(%arg0: i32, %arg1: i32, %arg2: memref<10240x32xf32, #tpu.memory_space<hbm>>, %arg3: memref<163840xi32, #tpu.memory_space<hbm>>, %arg4: memref<163840x32xf32, #tpu.memory_space<hbm>>, %arg5: memref<5120xi32, #tpu.memory_space<vmem>>, %arg6: memref<512x32xf32, #tpu.memory_space<vmem>>, %arg7: memref<!tpu.dma_semaphore, #tpu.memory_space<semaphore_mem>>) attributes {dimension_semantics = [#tpu.dimension_semantics<core_parallel>, #tpu.dimension_semantics<subcore_parallel>], iteration_bounds = array<i64: 2, 16>, scalar_prefetch = 0 : i64, scratch_operands = 3 : i64, tpu.core_type = #tpu.core_type<sc_vector_subcore>, window_params = [{transform_indices = #map}, {transform_indices = #map1}, {transform_indices = #map}]} {
    %mul3A = arith.constant 2 : i32
    %mul3A_0 = arith.muli %arg1, %mul3A : i32
    %add3A = arith.addi %mul3A_0, %arg0 : i32
    %mul3A_1 = arith.constant 320 : i32
    %mul3A_2 = arith.muli %add3A, %mul3A_1 : i32
    %mul3A_3 = arith.constant 16 : i32
    %mul3A_4 = arith.muli %mul3A_2, %mul3A_3 : i32
    "tpu.region"() ({
      %run_scoped3A = tpu.sem_alloc : memref<!tpu.dma_semaphore, #tpu.memory_space<semaphore_mem>>
      %dma_start3A = tpu.memref_slice %arg3[%mul3A_4] : memref<163840xi32, #tpu.memory_space<hbm>> -> memref<5120xi32, #tpu.memory_space<hbm>>
      %dma_start3A_9 = tpu.memref_slice %arg3[%mul3A_4] : memref<163840xi32, #tpu.memory_space<hbm>> -> memref<5120xi32, #tpu.memory_space<hbm>>
      tpu.enqueue_dma source(%dma_start3A_9 : memref<5120xi32, #tpu.memory_space<hbm>>) target(%arg5 : memref<5120xi32, #tpu.memory_space<vmem>>) target_semaphore(%run_scoped3A : memref<!tpu.dma_semaphore, #tpu.memory_space<semaphore_mem>>)
      %dma_wait3A = tpu.memref_slice %arg3[%mul3A_4] : memref<163840xi32, #tpu.memory_space<hbm>> -> memref<5120xi32, #tpu.memory_space<hbm>>
      %dma_wait3A_10 = tpu.memref_slice %arg3[%mul3A_4] : memref<163840xi32, #tpu.memory_space<hbm>> -> memref<5120xi32, #tpu.memory_space<hbm>>
      tpu.wait_dma2 semaphore(%run_scoped3A : memref<!tpu.dma_semaphore, #tpu.memory_space<semaphore_mem>>) src(%dma_wait3A_10 : memref<5120xi32, #tpu.memory_space<hbm>>) dst(%arg5 : memref<5120xi32, #tpu.memory_space<vmem>>)
      tpu.yield
    }) : () -> ()
    %scan3A = arith.constant 0 : i32
    %scan3A_5 = arith.constant 10 : i32
    %scan3A_6 = arith.addi %scan3A, %scan3A_5 : i32
    %scan3A_7 = arith.constant 1 : i32
    scf.for %scan3A_9 = %scan3A to %scan3A_6 step %scan3A_7  : i32 {
      %mul3A_10 = arith.constant 32 : i32
      %mul3A_11 = arith.muli %scan3A_9, %mul3A_10 : i32
      %mul3A_12 = arith.constant 16 : i32
      %mul3A_13 = arith.muli %mul3A_11, %mul3A_12 : i32
      %add3A_14 = arith.constant 0 : i32
      %add3A_15 = arith.addi %mul3A_13, %add3A_14 : i32
      %dma_start3A = arith.constant 0 : i32
      %dma_start3A_16 = arith.constant 0 : i32
      %dma_start3A_17 = tpu.memref_slice %arg6[%dma_start3A, %dma_start3A_16] : memref<512x32xf32, #tpu.memory_space<vmem>> -> memref<128x32xf32, #tpu.memory_space<vmem>>
      %dma_start3A_18 = tpu.memref_slice %arg5[%add3A_15] : memref<5120xi32, #tpu.memory_space<vmem>> -> memref<128xi32, #tpu.memory_space<vmem>>
      %dma_start3A_19 = arith.constant 0 : i32
      %dma_start3A_20 = arith.constant 0 : i32
      %dma_start3A_21 = tpu.memref_slice %arg2[%dma_start3A_19, %dma_start3A_20] : memref<10240x32xf32, #tpu.memory_space<hbm>> -> memref<10240x32xf32, #tpu.memory_space<hbm>>
      tpu.enqueue_indirect_dma source(%dma_start3A_21 : memref<10240x32xf32, #tpu.memory_space<hbm>>) target(%dma_start3A_17 : memref<128x32xf32, #tpu.memory_space<vmem>>) offsets(%dma_start3A_18 : memref<128xi32, #tpu.memory_space<vmem>>) semaphore(%arg7 : memref<!tpu.dma_semaphore, #tpu.memory_space<semaphore_mem>>)
      %add3A_22 = arith.constant 128 : i32
      %add3A_23 = arith.addi %mul3A_13, %add3A_22 : i32
      %dma_start3A_24 = arith.constant 128 : i32
      %dma_start3A_25 = arith.constant 0 : i32
      %dma_start3A_26 = tpu.memref_slice %arg6[%dma_start3A_24, %dma_start3A_25] : memref<512x32xf32, #tpu.memory_space<vmem>> -> memref<128x32xf32, #tpu.memory_space<vmem>>
      %dma_start3A_27 = tpu.memref_slice %arg5[%add3A_23] : memref<5120xi32, #tpu.memory_space<vmem>> -> memref<128xi32, #tpu.memory_space<vmem>>
      %dma_start3A_28 = arith.constant 0 : i32
      %dma_start3A_29 = arith.constant 0 : i32
      %dma_start3A_30 = tpu.memref_slice %arg2[%dma_start3A_28, %dma_start3A_29] : memref<10240x32xf32, #tpu.memory_space<hbm>> -> memref<10240x32xf32, #tpu.memory_space<hbm>>
      tpu.enqueue_indirect_dma source(%dma_start3A_30 : memref<10240x32xf32, #tpu.memory_space<hbm>>) target(%dma_start3A_26 : memref<128x32xf32, #tpu.memory_space<vmem>>) offsets(%dma_start3A_27 : memref<128xi32, #tpu.memory_space<vmem>>) semaphore(%arg7 : memref<!tpu.dma_semaphore, #tpu.memory_space<semaphore_mem>>)
      %add3A_31 = arith.constant 256 : i32
      %add3A_32 = arith.addi %mul3A_13, %add3A_31 : i32
      %dma_start3A_33 = arith.constant 256 : i32
      %dma_start3A_34 = arith.constant 0 : i32
      %dma_start3A_35 = tpu.memref_slice %arg6[%dma_start3A_33, %dma_start3A_34] : memref<512x32xf32, #tpu.memory_space<vmem>> -> memref<128x32xf32, #tpu.memory_space<vmem>>
      %dma_start3A_36 = tpu.memref_slice %arg5[%add3A_32] : memref<5120xi32, #tpu.memory_space<vmem>> -> memref<128xi32, #tpu.memory_space<vmem>>
      %dma_start3A_37 = arith.constant 0 : i32
      %dma_start3A_38 = arith.constant 0 : i32
      %dma_start3A_39 = tpu.memref_slice %arg2[%dma_start3A_37, %dma_start3A_38] : memref<10240x32xf32, #tpu.memory_space<hbm>> -> memref<10240x32xf32, #tpu.memory_space<hbm>>
      tpu.enqueue_indirect_dma source(%dma_start3A_39 : memref<10240x32xf32, #tpu.memory_space<hbm>>) target(%dma_start3A_35 : memref<128x32xf32, #tpu.memory_space<vmem>>) offsets(%dma_start3A_36 : memref<128xi32, #tpu.memory_space<vmem>>) semaphore(%arg7 : memref<!tpu.dma_semaphore, #tpu.memory_space<semaphore_mem>>)
      %add3A_40 = arith.constant 384 : i32
      %add3A_41 = arith.addi %mul3A_13, %add3A_40 : i32
      %dma_start3A_42 = arith.constant 384 : i32
      %dma_start3A_43 = arith.constant 0 : i32
      %dma_start3A_44 = tpu.memref_slice %arg6[%dma_start3A_42, %dma_start3A_43] : memref<512x32xf32, #tpu.memory_space<vmem>> -> memref<128x32xf32, #tpu.memory_space<vmem>>
      %dma_start3A_45 = tpu.memref_slice %arg5[%add3A_41] : memref<5120xi32, #tpu.memory_space<vmem>> -> memref<128xi32, #tpu.memory_space<vmem>>
      %dma_start3A_46 = arith.constant 0 : i32
      %dma_start3A_47 = arith.constant 0 : i32
      %dma_start3A_48 = tpu.memref_slice %arg2[%dma_start3A_46, %dma_start3A_47] : memref<10240x32xf32, #tpu.memory_space<hbm>> -> memref<10240x32xf32, #tpu.memory_space<hbm>>
      tpu.enqueue_indirect_dma source(%dma_start3A_48 : memref<10240x32xf32, #tpu.memory_space<hbm>>) target(%dma_start3A_44 : memref<128x32xf32, #tpu.memory_space<vmem>>) offsets(%dma_start3A_45 : memref<128xi32, #tpu.memory_space<vmem>>) semaphore(%arg7 : memref<!tpu.dma_semaphore, #tpu.memory_space<semaphore_mem>>)
      %dma_wait3A = arith.constant 0 : i32
      %dma_wait3A_49 = arith.constant 0 : i32
      %dma_wait3A_50 = tpu.memref_slice %arg6[%dma_wait3A, %dma_wait3A_49] : memref<512x32xf32, #tpu.memory_space<vmem>> -> memref<128x32xf32, #tpu.memory_space<vmem>>
      %dma_wait3A_51 = tpu.memref_slice %arg5[%add3A_15] : memref<5120xi32, #tpu.memory_space<vmem>> -> memref<128xi32, #tpu.memory_space<vmem>>
      %dma_wait3A_52 = arith.constant 0 : i32
      %dma_wait3A_53 = arith.constant 0 : i32
      %dma_wait3A_54 = tpu.memref_slice %arg2[%dma_wait3A_52, %dma_wait3A_53] : memref<10240x32xf32, #tpu.memory_space<hbm>> -> memref<10240x32xf32, #tpu.memory_space<hbm>>
      tpu.wait_indirect_dma semaphore(%arg7 : memref<!tpu.dma_semaphore, #tpu.memory_space<semaphore_mem>>) src(%dma_wait3A_54 : memref<10240x32xf32, #tpu.memory_space<hbm>>) dst(%dma_wait3A_50 : memref<128x32xf32, #tpu.memory_space<vmem>>)
      %dma_wait3A_55 = arith.constant 128 : i32
      %dma_wait3A_56 = arith.constant 0 : i32
      %dma_wait3A_57 = tpu.memref_slice %arg6[%dma_wait3A_55, %dma_wait3A_56] : memref<512x32xf32, #tpu.memory_space<vmem>> -> memref<128x32xf32, #tpu.memory_space<vmem>>
      %dma_wait3A_58 = tpu.memref_slice %arg5[%add3A_23] : memref<5120xi32, #tpu.memory_space<vmem>> -> memref<128xi32, #tpu.memory_space<vmem>>
      %dma_wait3A_59 = arith.constant 0 : i32
      %dma_wait3A_60 = arith.constant 0 : i32
      %dma_wait3A_61 = tpu.memref_slice %arg2[%dma_wait3A_59, %dma_wait3A_60] : memref<10240x32xf32, #tpu.memory_space<hbm>> -> memref<10240x32xf32, #tpu.memory_space<hbm>>
      tpu.wait_indirect_dma semaphore(%arg7 : memref<!tpu.dma_semaphore, #tpu.memory_space<semaphore_mem>>) src(%dma_wait3A_61 : memref<10240x32xf32, #tpu.memory_space<hbm>>) dst(%dma_wait3A_57 : memref<128x32xf32, #tpu.memory_space<vmem>>)
      %dma_wait3A_62 = arith.constant 256 : i32
      %dma_wait3A_63 = arith.constant 0 : i32
      %dma_wait3A_64 = tpu.memref_slice %arg6[%dma_wait3A_62, %dma_wait3A_63] : memref<512x32xf32, #tpu.memory_space<vmem>> -> memref<128x32xf32, #tpu.memory_space<vmem>>
      %dma_wait3A_65 = tpu.memref_slice %arg5[%add3A_32] : memref<5120xi32, #tpu.memory_space<vmem>> -> memref<128xi32, #tpu.memory_space<vmem>>
      %dma_wait3A_66 = arith.constant 0 : i32
      %dma_wait3A_67 = arith.constant 0 : i32
      %dma_wait3A_68 = tpu.memref_slice %arg2[%dma_wait3A_66, %dma_wait3A_67] : memref<10240x32xf32, #tpu.memory_space<hbm>> -> memref<10240x32xf32, #tpu.memory_space<hbm>>
      tpu.wait_indirect_dma semaphore(%arg7 : memref<!tpu.dma_semaphore, #tpu.memory_space<semaphore_mem>>) src(%dma_wait3A_68 : memref<10240x32xf32, #tpu.memory_space<hbm>>) dst(%dma_wait3A_64 : memref<128x32xf32, #tpu.memory_space<vmem>>)
      %dma_wait3A_69 = arith.constant 384 : i32
      %dma_wait3A_70 = arith.constant 0 : i32
      %dma_wait3A_71 = tpu.memref_slice %arg6[%dma_wait3A_69, %dma_wait3A_70] : memref<512x32xf32, #tpu.memory_space<vmem>> -> memref<128x32xf32, #tpu.memory_space<vmem>>
      %dma_wait3A_72 = tpu.memref_slice %arg5[%add3A_41] : memref<5120xi32, #tpu.memory_space<vmem>> -> memref<128xi32, #tpu.memory_space<vmem>>
      %dma_wait3A_73 = arith.constant 0 : i32
      %dma_wait3A_74 = arith.constant 0 : i32
      %dma_wait3A_75 = tpu.memref_slice %arg2[%dma_wait3A_73, %dma_wait3A_74] : memref<10240x32xf32, #tpu.memory_space<hbm>> -> memref<10240x32xf32, #tpu.memory_space<hbm>>
      tpu.wait_indirect_dma semaphore(%arg7 : memref<!tpu.dma_semaphore, #tpu.memory_space<semaphore_mem>>) src(%dma_wait3A_75 : memref<10240x32xf32, #tpu.memory_space<hbm>>) dst(%dma_wait3A_71 : memref<128x32xf32, #tpu.memory_space<vmem>>)
      %add3A_76 = arith.addi %mul3A_4, %mul3A_13 : i32
      "tpu.region"() ({
        %run_scoped3A = tpu.sem_alloc : memref<!tpu.dma_semaphore, #tpu.memory_space<semaphore_mem>>
        %dma_start3A_77 = arith.constant 0 : i32
        %dma_start3A_78 = tpu.memref_slice %arg4[%add3A_76, %dma_start3A_77] : memref<163840x32xf32, #tpu.memory_space<hbm>> -> memref<512x32xf32, #tpu.memory_space<hbm>>
        %dma_start3A_79 = arith.constant 0 : i32
        %dma_start3A_80 = tpu.memref_slice %arg4[%add3A_76, %dma_start3A_79] : memref<163840x32xf32, #tpu.memory_space<hbm>> -> memref<512x32xf32, #tpu.memory_space<hbm>>
        tpu.enqueue_dma source(%arg6 : memref<512x32xf32, #tpu.memory_space<vmem>>) target(%dma_start3A_80 : memref<512x32xf32, #tpu.memory_space<hbm>>) target_semaphore(%run_scoped3A : memref<!tpu.dma_semaphore, #tpu.memory_space<semaphore_mem>>)
        %dma_wait3A_81 = arith.constant 0 : i32
        %dma_wait3A_82 = tpu.memref_slice %arg4[%add3A_76, %dma_wait3A_81] : memref<163840x32xf32, #tpu.memory_space<hbm>> -> memref<512x32xf32, #tpu.memory_space<hbm>>
        %dma_wait3A_83 = arith.constant 0 : i32
        %dma_wait3A_84 = tpu.memref_slice %arg4[%add3A_76, %dma_wait3A_83] : memref<163840x32xf32, #tpu.memory_space<hbm>> -> memref<512x32xf32, #tpu.memory_space<hbm>>
        tpu.wait_dma2 semaphore(%run_scoped3A : memref<!tpu.dma_semaphore, #tpu.memory_space<semaphore_mem>>) src(%arg6 : memref<512x32xf32, #tpu.memory_space<vmem>>) dst(%dma_wait3A_84 : memref<512x32xf32, #tpu.memory_space<hbm>>)
        tpu.yield
      }) : () -> ()
    }
    %scan3A_8 = arith.constant 10 : i32
    return
  }
}

module attributes {stable_mosaic.version = 14 : i64} {
  func.func @_knn_body(%arg0: i32, %arg1: memref<10240x3xf32, #tpu.memory_space<vmem>>, %arg2: memref<3x128xf32, #tpu.memory_space<vmem>>, %arg3: memref<16x128xi32, #tpu.memory_space<vmem>>, %arg4: memref<10240x128xf32, #tpu.memory_space<vmem>>, %arg5: memref<400x128xf32, #tpu.memory_space<vmem>>, %arg6: memref<400x128xi32, #tpu.memory_space<vmem>>) attributes {dimension_semantics = [#tpu.dimension_semantics<arbitrary>], iteration_bounds = array<i64: 80>, scalar_prefetch = 0 : i64, scratch_operands = 3 : i64, tpu.core_type = #tpu.core_type<tc>, window_params = [{pipeline_mode = #tpu.pipeline_mode<synchronous>, transform_indices = @transform_0, window_bounds = array<i64: 10240, 3>}, {transform_indices = @transform_1, window_bounds = array<i64: 3, 128>}, {transform_indices = @transform_2, window_bounds = array<i64: 16, 128>}]} {
    %scan3A = arith.constant 0 : i32
    %scan3A_0 = arith.constant 10 : i32
    %scan3A_1 = arith.addi %scan3A, %scan3A_0 : i32
    %scan3A_2 = arith.constant 1 : i32
    scf.for %scan3A_56 = %scan3A to %scan3A_1 step %scan3A_2  : i32 {
      %mul3A = arith.constant 1024 : i32
      %mul3A_57 = arith.muli %scan3A_56, %mul3A : i32
      %get3A = arith.index_cast %mul3A_57 : i32 to index
      %get3A_58 = arith.constant 0 : index
      %get3A_59 = vector.load %arg1[%get3A, %get3A_58] : memref<10240x3xf32, #tpu.memory_space<vmem>>, vector<1024x1xf32>
      %get3A_60 = arith.index_cast %mul3A_57 : i32 to index
      %get3A_61 = arith.constant 1 : index
      %get3A_62 = vector.load %arg1[%get3A_60, %get3A_61] : memref<10240x3xf32, #tpu.memory_space<vmem>>, vector<1024x1xf32>
      %get3A_63 = arith.index_cast %mul3A_57 : i32 to index
      %get3A_64 = arith.constant 2 : index
      %get3A_65 = vector.load %arg1[%get3A_63, %get3A_64] : memref<10240x3xf32, #tpu.memory_space<vmem>>, vector<1024x1xf32>
      %get3A_66 = arith.constant 0 : index
      %get3A_67 = arith.constant 0 : index
      %get3A_68 = vector.load %arg2[%get3A_66, %get3A_67] : memref<3x128xf32, #tpu.memory_space<vmem>>, vector<1x128xf32>
      %get3A_69 = arith.constant 1 : index
      %get3A_70 = arith.constant 0 : index
      %get3A_71 = vector.load %arg2[%get3A_69, %get3A_70] : memref<3x128xf32, #tpu.memory_space<vmem>>, vector<1x128xf32>
      %get3A_72 = arith.constant 2 : index
      %get3A_73 = arith.constant 0 : index
      %get3A_74 = vector.load %arg2[%get3A_72, %get3A_73] : memref<3x128xf32, #tpu.memory_space<vmem>>, vector<1x128xf32>
      %sub3A_75 = vector.broadcast %get3A_59 : vector<1024x1xf32> to vector<1024x128xf32>
      %sub3A_76 = vector.broadcast %get3A_68 : vector<1x128xf32> to vector<1024x128xf32>
      %sub3A_77 = arith.subf %sub3A_75, %sub3A_76 : vector<1024x128xf32>
      %sub3A_78 = vector.broadcast %get3A_62 : vector<1024x1xf32> to vector<1024x128xf32>
      %sub3A_79 = vector.broadcast %get3A_71 : vector<1x128xf32> to vector<1024x128xf32>
      %sub3A_80 = arith.subf %sub3A_78, %sub3A_79 : vector<1024x128xf32>
      %sub3A_81 = vector.broadcast %get3A_65 : vector<1024x1xf32> to vector<1024x128xf32>
      %sub3A_82 = vector.broadcast %get3A_74 : vector<1x128xf32> to vector<1024x128xf32>
      %sub3A_83 = arith.subf %sub3A_81, %sub3A_82 : vector<1024x128xf32>
      %mul3A_84 = arith.mulf %sub3A_77, %sub3A_77 : vector<1024x128xf32>
      %mul3A_85 = arith.mulf %sub3A_80, %sub3A_80 : vector<1024x128xf32>
      %add3A = arith.addf %mul3A_84, %mul3A_85 : vector<1024x128xf32>
      %mul3A_86 = arith.mulf %sub3A_83, %sub3A_83 : vector<1024x128xf32>
      %add3A_87 = arith.addf %add3A, %mul3A_86 : vector<1024x128xf32>
      %mul3A_88 = arith.constant 1024 : i32
      %mul3A_89 = arith.muli %scan3A_56, %mul3A_88 : i32
      %swap3A_90 = arith.index_cast %mul3A_89 : i32 to index
      %swap3A_91 = arith.constant 0 : index
      %swap3A_92 = vector.load %arg4[%swap3A_90, %swap3A_91] : memref<10240x128xf32, #tpu.memory_space<vmem>>, vector<1024x128xf32>
      tpu.vector_store %arg4[%swap3A_90, %swap3A_91], %add3A_87 {strides = array<i32>} : memref<10240x128xf32, #tpu.memory_space<vmem>>, vector<1024x128xf32>,
    }
    %scan3A_3 = arith.constant 10 : i32
    %scan3A_4 = arith.constant 1073741824 : i32
    %scan3A_5 = arith.constant 0x7F800000 : f32
    %scan3A_6 = arith.constant 0 : i32
    %scan3A_7 = arith.constant 5 : i32
    %scan3A_8 = arith.addi %scan3A_6, %scan3A_7 : i32
    %scan3A_9 = arith.constant 1 : i32
    scf.for %scan3A_56 = %scan3A_6 to %scan3A_8 step %scan3A_9  : i32 {
      %scan3A_57 = arith.constant 0 : i32
      %scan3A_58 = arith.constant 10 : i32
      %scan3A_59 = arith.addi %scan3A_57, %scan3A_58 : i32
      %scan3A_60 = arith.constant 1 : i32
      scf.for %scan3A_62 = %scan3A_57 to %scan3A_59 step %scan3A_60  : i32 {
        %mul3A = arith.constant 1024 : i32
        %mul3A_63 = arith.muli %scan3A_62, %mul3A : i32
        %get3A = arith.index_cast %mul3A_63 : i32 to index
        %get3A_64 = arith.constant 0 : index
        %get3A_65 = vector.load %arg4[%get3A, %get3A_64] : memref<10240x128xf32, #tpu.memory_space<vmem>>, vector<1024x128xf32>
        %reshape3A = vector.shape_cast %get3A_65 : vector<1024x128xf32> to vector<8x128x128xf32>
        %reduce_min3A = arith.constant dense<0x7F800000> : vector<8x128xf32>
        %reduce_min3A_66 = vector.multi_reduction <minimumf>, %reshape3A, %reduce_min3A [1] : vector<8x128x128xf32> to vector<8x128xf32>
        %broadcast_in_dim3A_67 = vector.shape_cast %reduce_min3A_66 : vector<8x128xf32> to vector<8x1x128xf32>
        %broadcast_in_dim3A_68 = vector.shape_cast %broadcast_in_dim3A_67 : vector<8x1x128xf32> to vector<8x1x128xf32>
        %broadcast_in_dim3A_69 = vector.broadcast %broadcast_in_dim3A_68 : vector<8x1x128xf32> to vector<8x128x128xf32>
        %reshape3A_70 = vector.shape_cast %broadcast_in_dim3A_69 : vector<8x128x128xf32> to vector<1024x128xf32>
        %mul3A_71 = arith.constant 1024 : i32
        %mul3A_72 = arith.muli %scan3A_62, %mul3A_71 : i32
        %iota3A_73 = tpu.iota {dimensions = array<i32: 0>} : vector<1024x128xi32>
        %add3A = vector.broadcast %mul3A_72 : i32 to vector<1024x128xi32>
        %add3A_74 = arith.addi %add3A, %iota3A_73 : vector<1024x128xi32>
        %eq3A = arith.cmpf oeq, %get3A_65, %reshape3A_70 : vector<1024x128xf32>
        %broadcast_in_dim3A_75 = vector.broadcast %scan3A_4 : i32 to vector<1024x128xi32>
        %select_n3A_76 = arith.select %eq3A, %add3A_74, %broadcast_in_dim3A_75 : vector<1024x128xi1>, vector<1024x128xi32>
        %reshape3A_77 = vector.shape_cast %select_n3A_76 : vector<1024x128xi32> to vector<8x128x128xi32>
        %reduce_min3A_78 = arith.constant dense<2147483647> : vector<8x128xi32>
        %reduce_min3A_79 = vector.multi_reduction <minsi>, %reshape3A_77, %reduce_min3A_78 [1] : vector<8x128x128xi32> to vector<8x128xi32>
        %broadcast_in_dim3A_80 = vector.shape_cast %reduce_min3A_79 : vector<8x128xi32> to vector<8x1x128xi32>
        %broadcast_in_dim3A_81 = vector.shape_cast %broadcast_in_dim3A_80 : vector<8x1x128xi32> to vector<8x1x128xi32>
        %broadcast_in_dim3A_82 = vector.broadcast %broadcast_in_dim3A_81 : vector<8x1x128xi32> to vector<8x128x128xi32>
        %reshape3A_83 = vector.shape_cast %broadcast_in_dim3A_82 : vector<8x128x128xi32> to vector<1024x128xi32>
        %eq3A_84 = arith.cmpi eq, %add3A_74, %reshape3A_83 : vector<1024x128xi32>
        %broadcast_in_dim3A_85 = vector.broadcast %scan3A_5 : f32 to vector<1024x128xf32>
        %select_n3A_86 = arith.select %eq3A_84, %broadcast_in_dim3A_85, %get3A_65 : vector<1024x128xi1>, vector<1024x128xf32>
        %swap3A_87 = arith.index_cast %mul3A_63 : i32 to index
        %swap3A_88 = arith.constant 0 : index
        %swap3A_89 = vector.load %arg4[%swap3A_87, %swap3A_88] : memref<10240x128xf32, #tpu.memory_space<vmem>>, vector<1024x128xf32>
        tpu.vector_store %arg4[%swap3A_87, %swap3A_88], %select_n3A_86 {strides = array<i32>} : memref<10240x128xf32, #tpu.memory_space<vmem>>, vector<1024x128xf32>,
        %mul3A_90 = arith.constant 80 : i32
        %mul3A_91 = arith.muli %scan3A_56, %mul3A_90 : i32
        %mul3A_92 = arith.constant 8 : i32
        %mul3A_93 = arith.muli %scan3A_62, %mul3A_92 : i32
        %add3A_94 = arith.addi %mul3A_91, %mul3A_93 : i32
        %swap3A_95 = arith.index_cast %add3A_94 : i32 to index
        %swap3A_96 = arith.constant 0 : index
        %swap3A_97 = vector.load %arg5[%swap3A_95, %swap3A_96] : memref<400x128xf32, #tpu.memory_space<vmem>>, vector<8x128xf32>
        tpu.vector_store %arg5[%swap3A_95, %swap3A_96], %reduce_min3A_66 {strides = array<i32>} : memref<400x128xf32, #tpu.memory_space<vmem>>, vector<8x128xf32>,
        %swap3A_98 = arith.index_cast %add3A_94 : i32 to index
        %swap3A_99 = arith.constant 0 : index
        %swap3A_100 = vector.load %arg6[%swap3A_98, %swap3A_99] : memref<400x128xi32, #tpu.memory_space<vmem>>, vector<8x128xi32>
        tpu.vector_store %arg6[%swap3A_98, %swap3A_99], %reduce_min3A_79 {strides = array<i32>} : memref<400x128xi32, #tpu.memory_space<vmem>>, vector<8x128xi32>,
      }
      %scan3A_61 = arith.constant 10 : i32
    }
    %scan3A_10 = arith.constant 5 : i32
    %iota3A = tpu.iota {dimensions = array<i32: 0>} : vector<16x128xi32>
    %iota3A_11 = tpu.iota {dimensions = array<i32: 0>} : vector<400x128xi32>
    %jit3A = arith.constant 80 : i32
    %div3A = vector.broadcast %jit3A : i32 to vector<400x128xi32>
    %div3A_12 = arith.divsi %iota3A_11, %div3A : vector<400x128xi32>
    %sign3A = arith.constant 0 : i32
    %sign3A_13 = vector.broadcast %sign3A : i32 to vector<400x128xi32>
    %sign3A_14 = arith.cmpi sgt, %iota3A_11, %sign3A_13 : vector<400x128xi32>
    %sign3A_15 = arith.extui %sign3A_14 : vector<400x128xi1> to vector<400x128xi32>
    %sign3A_16 = arith.constant 0 : i32
    %sign3A_17 = vector.broadcast %sign3A_16 : i32 to vector<400x128xi32>
    %sign3A_18 = arith.cmpi slt, %iota3A_11, %sign3A_17 : vector<400x128xi32>
    %sign3A_19 = arith.extui %sign3A_18 : vector<400x128xi1> to vector<400x128xi32>
    %sign3A_20 = arith.subi %sign3A_15, %sign3A_19 : vector<400x128xi32>
    %sign3A_21 = arith.constant 0 : i32
    %sign3A_22 = arith.cmpi sgt, %jit3A, %sign3A_21 : i32
    %sign3A_23 = arith.extui %sign3A_22 : i1 to i32
    %sign3A_24 = arith.constant 0 : i32
    %sign3A_25 = arith.cmpi slt, %jit3A, %sign3A_24 : i32
    %sign3A_26 = arith.extui %sign3A_25 : i1 to i32
    %sign3A_27 = arith.subi %sign3A_23, %sign3A_26 : i32
    %ne3A = vector.broadcast %sign3A_27 : i32 to vector<400x128xi32>
    %ne3A_28 = arith.cmpi ne, %sign3A_20, %ne3A : vector<400x128xi32>
    %rem3A = vector.broadcast %jit3A : i32 to vector<400x128xi32>
    %rem3A_29 = arith.remsi %iota3A_11, %rem3A : vector<400x128xi32>
    %ne3A_30 = arith.constant 0 : i32
    %ne3A_31 = vector.broadcast %ne3A_30 : i32 to vector<400x128xi32>
    %ne3A_32 = arith.cmpi ne, %rem3A_29, %ne3A_31 : vector<400x128xi32>
    %and3A = arith.andi %ne3A_28, %ne3A_32 : vector<400x128xi1>
    %sub3A = arith.constant 1 : i32
    %sub3A_33 = vector.broadcast %sub3A : i32 to vector<400x128xi32>
    %sub3A_34 = arith.subi %div3A_12, %sub3A_33 : vector<400x128xi32>
    %select_n3A = arith.select %and3A, %sub3A_34, %div3A_12 : vector<400x128xi1>, vector<400x128xi32>
    %broadcast_in_dim3A = arith.constant 0 : i32
    %broadcast_in_dim3A_35 = vector.broadcast %broadcast_in_dim3A : i32 to vector<16x128xi32>
    %broadcast_in_dim3A_36 = arith.constant -1 : i32
    %broadcast_in_dim3A_37 = vector.broadcast %broadcast_in_dim3A_36 : i32 to vector<1x128xi32>
    %scan3A_38 = arith.constant 1073741824 : i32
    %scan3A_39 = arith.constant 0x7F800000 : f32
    %scan3A_40 = arith.constant 0 : i32
    %scan3A_41 = arith.constant 16 : i32
    %scan3A_42 = arith.addi %scan3A_40, %scan3A_41 : i32
    %scan3A_43 = arith.constant 1 : i32
    %scan3A_44:2 = scf.for %scan3A_56 = %scan3A_40 to %scan3A_42 step %scan3A_43 iter_args(%scan3A_57 = %broadcast_in_dim3A_35, %scan3A_58 = %broadcast_in_dim3A_37) -> (vector<16x128xi32>, vector<1x128xi32>)  : i32 {
      %get3A = arith.constant 0 : index
      %get3A_59 = arith.constant 0 : index
      %get3A_60 = vector.load %arg5[%get3A, %get3A_59] : memref<400x128xf32, #tpu.memory_space<vmem>>, vector<400x128xf32>
      %get3A_61 = arith.constant 0 : index
      %get3A_62 = arith.constant 0 : index
      %get3A_63 = vector.load %arg6[%get3A_61, %get3A_62] : memref<400x128xi32, #tpu.memory_space<vmem>>, vector<400x128xi32>
      %reduce_min3A = arith.constant dense<0x7F800000> : vector<128xf32>
      %reduce_min3A_64 = vector.multi_reduction <minimumf>, %get3A_60, %reduce_min3A [0] : vector<400x128xf32> to vector<128xf32>
      %broadcast_in_dim3A_65 = vector.shape_cast %reduce_min3A_64 : vector<128xf32> to vector<1x128xf32>
      %eq3A = vector.broadcast %broadcast_in_dim3A_65 : vector<1x128xf32> to vector<400x128xf32>
      %eq3A_66 = arith.cmpf oeq, %get3A_60, %eq3A : vector<400x128xf32>
      %broadcast_in_dim3A_67 = vector.broadcast %scan3A_38 : i32 to vector<400x128xi32>
      %select_n3A_68 = arith.select %eq3A_66, %get3A_63, %broadcast_in_dim3A_67 : vector<400x128xi1>, vector<400x128xi32>
      %reduce_min3A_69 = arith.constant dense<2147483647> : vector<128xi32>
      %reduce_min3A_70 = vector.multi_reduction <minsi>, %select_n3A_68, %reduce_min3A_69 [0] : vector<400x128xi32> to vector<128xi32>
      %broadcast_in_dim3A_71 = vector.shape_cast %reduce_min3A_70 : vector<128xi32> to vector<1x128xi32>
      %eq3A_72 = vector.broadcast %broadcast_in_dim3A_71 : vector<1x128xi32> to vector<400x128xi32>
      %eq3A_73 = arith.cmpi eq, %get3A_63, %eq3A_72 : vector<400x128xi32>
      %eq3A_74 = vector.broadcast %scan3A_56 : i32 to vector<16x128xi32>
      %eq3A_75 = arith.cmpi eq, %iota3A, %eq3A_74 : vector<16x128xi32>
      %broadcast_in_dim3A_76 = vector.shape_cast %broadcast_in_dim3A_71 : vector<1x128xi32> to vector<1x128xi32>
      %broadcast_in_dim3A_77 = vector.broadcast %broadcast_in_dim3A_76 : vector<1x128xi32> to vector<16x128xi32>
      %select_n3A_78 = arith.select %eq3A_75, %broadcast_in_dim3A_77, %scan3A_57 : vector<16x128xi1>, vector<16x128xi32>
      %and3A_79 = arith.andi %eq3A_73, %eq3A_66 : vector<400x128xi1>
      %jit3A_80 = arith.constant -1 : i32
      %broadcast_in_dim3A_81 = vector.broadcast %jit3A_80 : i32 to vector<400x128xi32>
      %select_n3A_82 = arith.select %and3A_79, %select_n3A, %broadcast_in_dim3A_81 : vector<400x128xi1>, vector<400x128xi32>
      %reduce_max3A_83 = arith.constant dense<-2147483648> : vector<128xi32>
      %reduce_max3A_84 = vector.multi_reduction <maxsi>, %select_n3A_82, %reduce_max3A_83 [0] : vector<400x128xi32> to vector<128xi32>
      %broadcast_in_dim3A_85 = vector.shape_cast %reduce_max3A_84 : vector<128xi32> to vector<1x128xi32>
      %max3A = arith.maxsi %scan3A_58, %broadcast_in_dim3A_85 : vector<1x128xi32>
      %broadcast_in_dim3A_86 = vector.broadcast %scan3A_39 : f32 to vector<400x128xf32>
      %select_n3A_87 = arith.select %eq3A_73, %broadcast_in_dim3A_86, %get3A_60 : vector<400x128xi1>, vector<400x128xf32>
      %swap3A_88 = arith.constant 0 : index
      %swap3A_89 = arith.constant 0 : index
      %swap3A_90 = vector.load %arg5[%swap3A_88, %swap3A_89] : memref<400x128xf32, #tpu.memory_space<vmem>>, vector<400x128xf32>
      tpu.vector_store %arg5[%swap3A_88, %swap3A_89], %select_n3A_87 {strides = array<i32>} : memref<400x128xf32, #tpu.memory_space<vmem>>, vector<400x128xf32>,
      scf.yield %select_n3A_78, %max3A : vector<16x128xi32>, vector<1x128xi32>
    }
    %scan3A_45 = arith.constant 16 : i32
    %swap3A = arith.constant 0 : index
    %swap3A_46 = arith.constant 0 : index
    %swap3A_47 = vector.load %arg3[%swap3A, %swap3A_46] : memref<16x128xi32, #tpu.memory_space<vmem>>, vector<16x128xi32>
    tpu.vector_store %arg3[%swap3A, %swap3A_46], %scan3A_44#0 {strides = array<i32>} : memref<16x128xi32, #tpu.memory_space<vmem>>, vector<16x128xi32>,
    %reduce_max3A = vector.shape_cast %scan3A_44#1 : vector<1x128xi32> to vector<1x1x128xi32>
    %reduce_max3A_48 = arith.constant dense<-2147483648> : vector<1xi32>
    %reduce_max3A_49 = vector.multi_reduction <maxsi>, %reduce_max3A, %reduce_max3A_48 [1, 2] : vector<1x1x128xi32> to vector<1xi32>
    %reduce_max3A_50 = vector.shape_cast %reduce_max3A_49 : vector<1xi32> to vector<1x1x1xi32>
    %reduce_max3A_51 = vector.extract %reduce_max3A_50[0, 0, 0] : i32 from vector<1x1x1xi32>
    %ge3A = arith.constant 4 : i32
    %ge3A_52 = arith.cmpi sge, %reduce_max3A_51, %ge3A : i32
    %convert_element_type3A = arith.extui %ge3A_52 : i1 to i32
    %cond3A = arith.constant 1073741824 : i32
    %cond3A_53 = arith.constant 0x7F800000 : f32
    %cond3A_54 = arith.constant 0 : i32
    %cond3A_55 = arith.cmpi ne, %convert_element_type3A, %cond3A_54 : i32
    scf.if %cond3A_55 {
      %scan3A_56 = arith.constant 0 : i32
      %scan3A_57 = arith.constant 10 : i32
      %scan3A_58 = arith.addi %scan3A_56, %scan3A_57 : i32
      %scan3A_59 = arith.constant 1 : i32
      scf.for %scan3A_71 = %scan3A_56 to %scan3A_58 step %scan3A_59  : i32 {
        %mul3A = arith.constant 1024 : i32
        %mul3A_72 = arith.muli %scan3A_71, %mul3A : i32
        %get3A = arith.index_cast %mul3A_72 : i32 to index
        %get3A_73 = arith.constant 0 : index
        %get3A_74 = vector.load %arg1[%get3A, %get3A_73] : memref<10240x3xf32, #tpu.memory_space<vmem>>, vector<1024x1xf32>
        %get3A_75 = arith.index_cast %mul3A_72 : i32 to index
        %get3A_76 = arith.constant 1 : index
        %get3A_77 = vector.load %arg1[%get3A_75, %get3A_76] : memref<10240x3xf32, #tpu.memory_space<vmem>>, vector<1024x1xf32>
        %get3A_78 = arith.index_cast %mul3A_72 : i32 to index
        %get3A_79 = arith.constant 2 : index
        %get3A_80 = vector.load %arg1[%get3A_78, %get3A_79] : memref<10240x3xf32, #tpu.memory_space<vmem>>, vector<1024x1xf32>
        %get3A_81 = arith.constant 0 : index
        %get3A_82 = arith.constant 0 : index
        %get3A_83 = vector.load %arg2[%get3A_81, %get3A_82] : memref<3x128xf32, #tpu.memory_space<vmem>>, vector<1x128xf32>
        %get3A_84 = arith.constant 1 : index
        %get3A_85 = arith.constant 0 : index
        %get3A_86 = vector.load %arg2[%get3A_84, %get3A_85] : memref<3x128xf32, #tpu.memory_space<vmem>>, vector<1x128xf32>
        %get3A_87 = arith.constant 2 : index
        %get3A_88 = arith.constant 0 : index
        %get3A_89 = vector.load %arg2[%get3A_87, %get3A_88] : memref<3x128xf32, #tpu.memory_space<vmem>>, vector<1x128xf32>
        %sub3A_90 = vector.broadcast %get3A_74 : vector<1024x1xf32> to vector<1024x128xf32>
        %sub3A_91 = vector.broadcast %get3A_83 : vector<1x128xf32> to vector<1024x128xf32>
        %sub3A_92 = arith.subf %sub3A_90, %sub3A_91 : vector<1024x128xf32>
        %sub3A_93 = vector.broadcast %get3A_77 : vector<1024x1xf32> to vector<1024x128xf32>
        %sub3A_94 = vector.broadcast %get3A_86 : vector<1x128xf32> to vector<1024x128xf32>
        %sub3A_95 = arith.subf %sub3A_93, %sub3A_94 : vector<1024x128xf32>
        %sub3A_96 = vector.broadcast %get3A_80 : vector<1024x1xf32> to vector<1024x128xf32>
        %sub3A_97 = vector.broadcast %get3A_89 : vector<1x128xf32> to vector<1024x128xf32>
        %sub3A_98 = arith.subf %sub3A_96, %sub3A_97 : vector<1024x128xf32>
        %mul3A_99 = arith.mulf %sub3A_92, %sub3A_92 : vector<1024x128xf32>
        %mul3A_100 = arith.mulf %sub3A_95, %sub3A_95 : vector<1024x128xf32>
        %add3A = arith.addf %mul3A_99, %mul3A_100 : vector<1024x128xf32>
        %mul3A_101 = arith.mulf %sub3A_98, %sub3A_98 : vector<1024x128xf32>
        %add3A_102 = arith.addf %add3A, %mul3A_101 : vector<1024x128xf32>
        %mul3A_103 = arith.constant 1024 : i32
        %mul3A_104 = arith.muli %scan3A_71, %mul3A_103 : i32
        %swap3A_105 = arith.index_cast %mul3A_104 : i32 to index
        %swap3A_106 = arith.constant 0 : index
        %swap3A_107 = vector.load %arg4[%swap3A_105, %swap3A_106] : memref<10240x128xf32, #tpu.memory_space<vmem>>, vector<1024x128xf32>
        tpu.vector_store %arg4[%swap3A_105, %swap3A_106], %add3A_102 {strides = array<i32>} : memref<10240x128xf32, #tpu.memory_space<vmem>>, vector<1024x128xf32>,
      }
      %scan3A_60 = arith.constant 10 : i32
      %iota3A_61 = tpu.iota {dimensions = array<i32: 0>} : vector<10240x128xi32>
      %scan3A_62 = arith.constant 0 : i32
      %scan3A_63 = arith.constant 16 : i32
      %scan3A_64 = arith.addi %scan3A_62, %scan3A_63 : i32
      %scan3A_65 = arith.constant 1 : i32
      %scan3A_66 = scf.for %scan3A_71 = %scan3A_62 to %scan3A_64 step %scan3A_65 iter_args(%scan3A_72 = %broadcast_in_dim3A_35) -> (vector<16x128xi32>)  : i32 {
        %get3A = arith.constant 0 : index
        %get3A_73 = arith.constant 0 : index
        %get3A_74 = vector.load %arg4[%get3A, %get3A_73] : memref<10240x128xf32, #tpu.memory_space<vmem>>, vector<10240x128xf32>
        %reduce_min3A = arith.constant dense<0x7F800000> : vector<128xf32>
        %reduce_min3A_75 = vector.multi_reduction <minimumf>, %get3A_74, %reduce_min3A [0] : vector<10240x128xf32> to vector<128xf32>
        %broadcast_in_dim3A_76 = vector.shape_cast %reduce_min3A_75 : vector<128xf32> to vector<1x128xf32>
        %eq3A = vector.broadcast %broadcast_in_dim3A_76 : vector<1x128xf32> to vector<10240x128xf32>
        %eq3A_77 = arith.cmpf oeq, %get3A_74, %eq3A : vector<10240x128xf32>
        %broadcast_in_dim3A_78 = vector.broadcast %cond3A : i32 to vector<10240x128xi32>
        %select_n3A_79 = arith.select %eq3A_77, %iota3A_61, %broadcast_in_dim3A_78 : vector<10240x128xi1>, vector<10240x128xi32>
        %reduce_min3A_80 = arith.constant dense<2147483647> : vector<128xi32>
        %reduce_min3A_81 = vector.multi_reduction <minsi>, %select_n3A_79, %reduce_min3A_80 [0] : vector<10240x128xi32> to vector<128xi32>
        %broadcast_in_dim3A_82 = vector.shape_cast %reduce_min3A_81 : vector<128xi32> to vector<1x128xi32>
        %eq3A_83 = vector.broadcast %scan3A_71 : i32 to vector<16x128xi32>
        %eq3A_84 = arith.cmpi eq, %iota3A, %eq3A_83 : vector<16x128xi32>
        %broadcast_in_dim3A_85 = vector.shape_cast %broadcast_in_dim3A_82 : vector<1x128xi32> to vector<1x128xi32>
        %broadcast_in_dim3A_86 = vector.broadcast %broadcast_in_dim3A_85 : vector<1x128xi32> to vector<16x128xi32>
        %select_n3A_87 = arith.select %eq3A_84, %broadcast_in_dim3A_86, %scan3A_72 : vector<16x128xi1>, vector<16x128xi32>
        %eq3A_88 = vector.broadcast %broadcast_in_dim3A_82 : vector<1x128xi32> to vector<10240x128xi32>
        %eq3A_89 = arith.cmpi eq, %iota3A_61, %eq3A_88 : vector<10240x128xi32>
        %broadcast_in_dim3A_90 = vector.broadcast %cond3A_53 : f32 to vector<10240x128xf32>
        %select_n3A_91 = arith.select %eq3A_89, %broadcast_in_dim3A_90, %get3A_74 : vector<10240x128xi1>, vector<10240x128xf32>
        %swap3A_92 = arith.constant 0 : index
        %swap3A_93 = arith.constant 0 : index
        %swap3A_94 = vector.load %arg4[%swap3A_92, %swap3A_93] : memref<10240x128xf32, #tpu.memory_space<vmem>>, vector<10240x128xf32>
        tpu.vector_store %arg4[%swap3A_92, %swap3A_93], %select_n3A_91 {strides = array<i32>} : memref<10240x128xf32, #tpu.memory_space<vmem>>, vector<10240x128xf32>,
        scf.yield %select_n3A_87 : vector<16x128xi32>
      }
      %scan3A_67 = arith.constant 16 : i32
      %swap3A_68 = arith.constant 0 : index
      %swap3A_69 = arith.constant 0 : index
      %swap3A_70 = vector.load %arg3[%swap3A_68, %swap3A_69] : memref<16x128xi32, #tpu.memory_space<vmem>>, vector<16x128xi32>
      tpu.vector_store %arg3[%swap3A_68, %swap3A_69], %scan3A_66 {strides = array<i32>} : memref<16x128xi32, #tpu.memory_space<vmem>>, vector<16x128xi32>,
    } else {
    }
    return
  }
  func.func @transform_0(%arg0: i32) -> (i32, i32) {
    %c0_i32 = arith.constant 0 : i32
    %c0_i32_0 = arith.constant 0 : i32
    %c0_i32_1 = arith.constant 0 : i32
    return %c0_i32, %c0_i32_0 : i32, i32
  }
  func.func @transform_1(%arg0: i32) -> (i32, i32) {
    %c0_i32 = arith.constant 0 : i32
    %c0_i32_0 = arith.constant 0 : i32
    return %c0_i32, %arg0 : i32, i32
  }
  func.func @transform_2(%arg0: i32) -> (i32, i32) {
    %c0_i32 = arith.constant 0 : i32
    %c0_i32_0 = arith.constant 0 : i32
    return %c0_i32, %arg0 : i32, i32
  }
}

module attributes {stable_mosaic.version = 14 : i64} {
  func.func @_econv_body(%arg0: i32, %arg1: memref<128x16xf32, #tpu.memory_space<vmem>>, %arg2: memref<2048x16xf32, #tpu.memory_space<vmem>>, %arg3: memref<16x32xf32, #tpu.memory_space<vmem>>, %arg4: memref<16x32xf32, #tpu.memory_space<vmem>>, %arg5: memref<1x32xf32, #tpu.memory_space<vmem>>, %arg6: memref<128x32xf32, #tpu.memory_space<vmem>>, %arg7: memref<1x32xf32, #tpu.memory_space<vmem>>, %arg8: memref<1x32xf32, #tpu.memory_space<vmem>>) attributes {dimension_semantics = [#tpu.dimension_semantics<arbitrary>], iteration_bounds = array<i64: 80>, scalar_prefetch = 0 : i64, scratch_operands = 0 : i64, tpu.core_type = #tpu.core_type<tc>, window_params = [{transform_indices = @transform_0, window_bounds = array<i64: 128, 16>}, {transform_indices = @transform_1, window_bounds = array<i64: 2048, 16>}, {pipeline_mode = #tpu.pipeline_mode<synchronous>, transform_indices = @transform_2, window_bounds = array<i64: 16, 32>}, {pipeline_mode = #tpu.pipeline_mode<synchronous>, transform_indices = @transform_3, window_bounds = array<i64: 16, 32>}, {pipeline_mode = #tpu.pipeline_mode<synchronous>, transform_indices = @transform_4, window_bounds = array<i64: 1, 32>}, {transform_indices = @transform_5, window_bounds = array<i64: 128, 32>}, {pipeline_mode = #tpu.pipeline_mode<synchronous>, transform_indices = @transform_6, window_bounds = array<i64: 1, 32>}, {pipeline_mode = #tpu.pipeline_mode<synchronous>, transform_indices = @transform_7, window_bounds = array<i64: 1, 32>}]} {
    %get3A = arith.constant 0 : index
    %get3A_0 = arith.constant 0 : index
    %get3A_1 = vector.load %arg1[%get3A, %get3A_0] : memref<128x16xf32, #tpu.memory_space<vmem>>, vector<128x16xf32>
    %broadcast_in_dim3A = vector.shape_cast %get3A_1 : vector<128x16xf32> to vector<128x1x16xf32>
    %broadcast_in_dim3A_2 = vector.shape_cast %broadcast_in_dim3A : vector<128x1x16xf32> to vector<128x1x16xf32>
    %broadcast_in_dim3A_3 = vector.broadcast %broadcast_in_dim3A_2 : vector<128x1x16xf32> to vector<128x16x16xf32>
    %get3A_4 = arith.constant 0 : index
    %get3A_5 = arith.constant 0 : index
    %get3A_6 = vector.load %arg2[%get3A_4, %get3A_5] : memref<2048x16xf32, #tpu.memory_space<vmem>>, vector<2048x16xf32>
    %reshape3A = vector.shape_cast %broadcast_in_dim3A_3 : vector<128x16x16xf32> to vector<2048x16xf32>
    %sub3A = arith.subf %get3A_6, %reshape3A : vector<2048x16xf32>
    %get3A_7 = arith.constant 0 : index
    %get3A_8 = arith.constant 0 : index
    %get3A_9 = vector.load %arg3[%get3A_7, %get3A_8] : memref<16x32xf32, #tpu.memory_space<vmem>>, vector<16x32xf32>
    %dot_general3A = arith.constant dense<0.000000e+00> : vector<128x32xf32>
    %dot_general3A_10 = tpu.matmul %get3A_1, %get3A_9, %dot_general3A {dimension_numbers = #tpu.dot_dimension_numbers<[1], [0], [0], [1], [0, 0, 1, 1], [], []>, transpose_lhs_hint = false} : vector<128x16xf32>, vector<16x32xf32>, vector<128x32xf32> -> vector<128x32xf32>
    %get3A_11 = arith.constant 0 : index
    %get3A_12 = arith.constant 0 : index
    %get3A_13 = vector.load %arg4[%get3A_11, %get3A_12] : memref<16x32xf32, #tpu.memory_space<vmem>>, vector<16x32xf32>
    %dot_general3A_14 = arith.constant dense<0.000000e+00> : vector<2048x32xf32>
    %dot_general3A_15 = tpu.matmul %sub3A, %get3A_13, %dot_general3A_14 {dimension_numbers = #tpu.dot_dimension_numbers<[1], [0], [0], [1], [0, 0, 1, 1], [], []>, transpose_lhs_hint = false} : vector<2048x16xf32>, vector<16x32xf32>, vector<2048x32xf32> -> vector<2048x32xf32>
    %reshape3A_16 = vector.shape_cast %dot_general3A_15 : vector<2048x32xf32> to vector<128x16x32xf32>
    %broadcast_in_dim3A_17 = vector.shape_cast %dot_general3A_10 : vector<128x32xf32> to vector<128x1x32xf32>
    %add3A = vector.broadcast %broadcast_in_dim3A_17 : vector<128x1x32xf32> to vector<128x16x32xf32>
    %add3A_18 = arith.addf %reshape3A_16, %add3A : vector<128x16x32xf32>
    %get3A_19 = arith.constant 0 : index
    %get3A_20 = arith.constant 0 : index
    %get3A_21 = vector.load %arg5[%get3A_19, %get3A_20] : memref<1x32xf32, #tpu.memory_space<vmem>>, vector<1x32xf32>
    %broadcast_in_dim3A_22 = vector.shape_cast %get3A_21 : vector<1x32xf32> to vector<1x1x32xf32>
    %add3A_23 = vector.broadcast %broadcast_in_dim3A_22 : vector<1x1x32xf32> to vector<128x16x32xf32>
    %add3A_24 = arith.addf %add3A_18, %add3A_23 : vector<128x16x32xf32>
    %reduce_max3A = arith.constant dense<0xFF800000> : vector<128x32xf32>
    %reduce_max3A_25 = vector.multi_reduction <maximumf>, %add3A_24, %reduce_max3A [1] : vector<128x16x32xf32> to vector<128x32xf32>
    %swap3A = arith.constant 0 : index
    %swap3A_26 = arith.constant 0 : index
    %swap3A_27 = vector.load %arg6[%swap3A, %swap3A_26] : memref<128x32xf32, #tpu.memory_space<vmem>>, vector<128x32xf32>
    tpu.vector_store %arg6[%swap3A, %swap3A_26], %reduce_max3A_25 {strides = array<i32>} : memref<128x32xf32, #tpu.memory_space<vmem>>, vector<128x32xf32>,
    %mul3A = arith.constant 128 : i32
    %mul3A_28 = arith.muli %arg0, %mul3A : i32
    %iota3A = tpu.iota {dimensions = array<i32: 0>} : vector<128x16x32xi32>
    %add3A_29 = vector.broadcast %mul3A_28 : i32 to vector<128x16x32xi32>
    %add3A_30 = arith.addi %add3A_29, %iota3A : vector<128x16x32xi32>
    %lt3A = arith.constant 10000 : i32
    %lt3A_31 = vector.broadcast %lt3A : i32 to vector<128x16x32xi32>
    %lt3A_32 = arith.cmpi slt, %add3A_30, %lt3A_31 : vector<128x16x32xi32>
    %jit3A = arith.constant 0.000000e+00 : f32
    %broadcast_in_dim3A_33 = vector.broadcast %jit3A : f32 to vector<128x16x32xf32>
    %select_n3A = arith.select %lt3A_32, %add3A_24, %broadcast_in_dim3A_33 : vector<128x16x32xi1>, vector<128x16x32xf32>
    %reduce_sum3A = arith.constant dense<0.000000e+00> : vector<32xf32>
    %reduce_sum3A_34 = vector.multi_reduction <add>, %select_n3A, %reduce_sum3A [0, 1] : vector<128x16x32xf32> to vector<32xf32>
    %broadcast_in_dim3A_35 = vector.shape_cast %reduce_sum3A_34 : vector<32xf32> to vector<1x32xf32>
    %mul3A_36 = arith.mulf %select_n3A, %select_n3A : vector<128x16x32xf32>
    %reduce_sum3A_37 = arith.constant dense<0.000000e+00> : vector<32xf32>
    %reduce_sum3A_38 = vector.multi_reduction <add>, %mul3A_36, %reduce_sum3A_37 [0, 1] : vector<128x16x32xf32> to vector<32xf32>
    %broadcast_in_dim3A_39 = vector.shape_cast %reduce_sum3A_38 : vector<32xf32> to vector<1x32xf32>
    %eq3A = arith.constant 0 : i32
    %eq3A_40 = arith.cmpi eq, %arg0, %eq3A : i32
    %convert_element_type3A = arith.extui %eq3A_40 : i1 to i32
    %cond3A = arith.constant 0 : i32
    %cond3A_41 = arith.cmpi ne, %convert_element_type3A, %cond3A : i32
    scf.if %cond3A_41 {
      %broadcast_in_dim3A_56 = arith.constant 0.000000e+00 : f32
      %broadcast_in_dim3A_57 = vector.broadcast %broadcast_in_dim3A_56 : f32 to vector<1x32xf32>
      %swap3A_58 = arith.constant 0 : index
      %swap3A_59 = arith.constant 0 : index
      %swap3A_60 = vector.load %arg7[%swap3A_58, %swap3A_59] : memref<1x32xf32, #tpu.memory_space<vmem>>, vector<1x32xf32>
      tpu.vector_store %arg7[%swap3A_58, %swap3A_59], %broadcast_in_dim3A_57 {strides = array<i32>} : memref<1x32xf32, #tpu.memory_space<vmem>>, vector<1x32xf32>,
      %broadcast_in_dim3A_61 = arith.constant 0.000000e+00 : f32
      %broadcast_in_dim3A_62 = vector.broadcast %broadcast_in_dim3A_61 : f32 to vector<1x32xf32>
      %swap3A_63 = arith.constant 0 : index
      %swap3A_64 = arith.constant 0 : index
      %swap3A_65 = vector.load %arg8[%swap3A_63, %swap3A_64] : memref<1x32xf32, #tpu.memory_space<vmem>>, vector<1x32xf32>
      tpu.vector_store %arg8[%swap3A_63, %swap3A_64], %broadcast_in_dim3A_62 {strides = array<i32>} : memref<1x32xf32, #tpu.memory_space<vmem>>, vector<1x32xf32>,
    } else {
    }
    %get3A_42 = arith.constant 0 : index
    %get3A_43 = arith.constant 0 : index
    %get3A_44 = vector.load %arg7[%get3A_42, %get3A_43] : memref<1x32xf32, #tpu.memory_space<vmem>>, vector<1x32xf32>
    %add3A_45 = arith.addf %get3A_44, %broadcast_in_dim3A_35 : vector<1x32xf32>
    %swap3A_46 = arith.constant 0 : index
    %swap3A_47 = arith.constant 0 : index
    %swap3A_48 = vector.load %arg7[%swap3A_46, %swap3A_47] : memref<1x32xf32, #tpu.memory_space<vmem>>, vector<1x32xf32>
    tpu.vector_store %arg7[%swap3A_46, %swap3A_47], %add3A_45 {strides = array<i32>} : memref<1x32xf32, #tpu.memory_space<vmem>>, vector<1x32xf32>,
    %get3A_49 = arith.constant 0 : index
    %get3A_50 = arith.constant 0 : index
    %get3A_51 = vector.load %arg8[%get3A_49, %get3A_50] : memref<1x32xf32, #tpu.memory_space<vmem>>, vector<1x32xf32>
    %add3A_52 = arith.addf %get3A_51, %broadcast_in_dim3A_39 : vector<1x32xf32>
    %swap3A_53 = arith.constant 0 : index
    %swap3A_54 = arith.constant 0 : index
    %swap3A_55 = vector.load %arg8[%swap3A_53, %swap3A_54] : memref<1x32xf32, #tpu.memory_space<vmem>>, vector<1x32xf32>
    tpu.vector_store %arg8[%swap3A_53, %swap3A_54], %add3A_52 {strides = array<i32>} : memref<1x32xf32, #tpu.memory_space<vmem>>, vector<1x32xf32>,
    return
  }
  func.func @transform_0(%arg0: i32) -> (i32, i32) {
    %c0_i32 = arith.constant 0 : i32
    %c0_i32_0 = arith.constant 0 : i32
    return %arg0, %c0_i32 : i32, i32
  }
  func.func @transform_1(%arg0: i32) -> (i32, i32) {
    %c0_i32 = arith.constant 0 : i32
    %c0_i32_0 = arith.constant 0 : i32
    return %arg0, %c0_i32 : i32, i32
  }
  func.func @transform_2(%arg0: i32) -> (i32, i32) {
    %c0_i32 = arith.constant 0 : i32
    %c0_i32_0 = arith.constant 0 : i32
    %c0_i32_1 = arith.constant 0 : i32
    return %c0_i32, %c0_i32_0 : i32, i32
  }
  func.func @transform_3(%arg0: i32) -> (i32, i32) {
    %c0_i32 = arith.constant 0 : i32
    %c0_i32_0 = arith.constant 0 : i32
    %c0_i32_1 = arith.constant 0 : i32
    return %c0_i32, %c0_i32_0 : i32, i32
  }
  func.func @transform_4(%arg0: i32) -> (i32, i32) {
    %c0_i32 = arith.constant 0 : i32
    %c0_i32_0 = arith.constant 0 : i32
    %c0_i32_1 = arith.constant 0 : i32
    return %c0_i32, %c0_i32_0 : i32, i32
  }
  func.func @transform_5(%arg0: i32) -> (i32, i32) {
    %c0_i32 = arith.constant 0 : i32
    %c0_i32_0 = arith.constant 0 : i32
    return %arg0, %c0_i32 : i32, i32
  }
  func.func @transform_6(%arg0: i32) -> (i32, i32) {
    %c0_i32 = arith.constant 0 : i32
    %c0_i32_0 = arith.constant 0 : i32
    %c0_i32_1 = arith.constant 0 : i32
    return %c0_i32, %c0_i32_0 : i32, i32
  }
  func.func @transform_7(%arg0: i32) -> (i32, i32) {
    %c0_i32 = arith.constant 0 : i32
    %c0_i32_0 = arith.constant 0 : i32
    %c0_i32_1 = arith.constant 0 : i32
    return %c0_i32, %c0_i32_0 : i32, i32
  }
}

module attributes {stable_mosaic.version = 14 : i64} {
  func.func @_combine_body(%arg0: i32, %arg1: memref<2000x32xf32, #tpu.memory_space<vmem>>, %arg2: memref<1x32xf32, #tpu.memory_space<vmem>>, %arg3: memref<1x32xf32, #tpu.memory_space<vmem>>, %arg4: memref<1x32xf32, #tpu.memory_space<vmem>>, %arg5: memref<1x32xf32, #tpu.memory_space<vmem>>, %arg6: memref<2000x32xf32, #tpu.memory_space<vmem>>) attributes {dimension_semantics = [#tpu.dimension_semantics<arbitrary>], iteration_bounds = array<i64: 5>, scalar_prefetch = 0 : i64, scratch_operands = 0 : i64, tpu.core_type = #tpu.core_type<tc>, window_params = [{transform_indices = @transform_0, window_bounds = array<i64: 2000, 32>}, {pipeline_mode = #tpu.pipeline_mode<synchronous>, transform_indices = @transform_1, window_bounds = array<i64: 1, 32>}, {pipeline_mode = #tpu.pipeline_mode<synchronous>, transform_indices = @transform_2, window_bounds = array<i64: 1, 32>}, {pipeline_mode = #tpu.pipeline_mode<synchronous>, transform_indices = @transform_3, window_bounds = array<i64: 1, 32>}, {pipeline_mode = #tpu.pipeline_mode<synchronous>, transform_indices = @transform_4, window_bounds = array<i64: 1, 32>}, {transform_indices = @transform_5, window_bounds = array<i64: 2000, 32>}]} {
    %get3A = arith.constant 0 : index
    %get3A_0 = arith.constant 0 : index
    %get3A_1 = vector.load %arg2[%get3A, %get3A_0] : memref<1x32xf32, #tpu.memory_space<vmem>>, vector<1x32xf32>
    %div3A = arith.constant 1.600000e+05 : f32
    %div3A_2 = vector.broadcast %div3A : f32 to vector<1x32xf32>
    %div3A_3 = arith.divf %get3A_1, %div3A_2 : vector<1x32xf32>
    %get3A_4 = arith.constant 0 : index
    %get3A_5 = arith.constant 0 : index
    %get3A_6 = vector.load %arg3[%get3A_4, %get3A_5] : memref<1x32xf32, #tpu.memory_space<vmem>>, vector<1x32xf32>
    %div3A_7 = arith.constant 1.600000e+05 : f32
    %div3A_8 = vector.broadcast %div3A_7 : f32 to vector<1x32xf32>
    %div3A_9 = arith.divf %get3A_6, %div3A_8 : vector<1x32xf32>
    %mul3A = arith.mulf %div3A_3, %div3A_3 : vector<1x32xf32>
    %sub3A = arith.subf %div3A_9, %mul3A : vector<1x32xf32>
    %get3A_10 = arith.constant 0 : index
    %get3A_11 = arith.constant 0 : index
    %get3A_12 = vector.load %arg4[%get3A_10, %get3A_11] : memref<1x32xf32, #tpu.memory_space<vmem>>, vector<1x32xf32>
    %add3A = arith.constant 9.99999974E-6 : f32
    %add3A_13 = vector.broadcast %add3A : f32 to vector<1x32xf32>
    %add3A_14 = arith.addf %sub3A, %add3A_13 : vector<1x32xf32>
    %rsqrt3A = math.rsqrt %add3A_14 : vector<1x32xf32>
    %mul3A_15 = arith.mulf %get3A_12, %rsqrt3A : vector<1x32xf32>
    %get3A_16 = arith.constant 0 : index
    %get3A_17 = arith.constant 0 : index
    %get3A_18 = vector.load %arg1[%get3A_16, %get3A_17] : memref<2000x32xf32, #tpu.memory_space<vmem>>, vector<2000x32xf32>
    %sub3A_19 = vector.broadcast %div3A_3 : vector<1x32xf32> to vector<2000x32xf32>
    %sub3A_20 = arith.subf %get3A_18, %sub3A_19 : vector<2000x32xf32>
    %mul3A_21 = vector.broadcast %mul3A_15 : vector<1x32xf32> to vector<2000x32xf32>
    %mul3A_22 = arith.mulf %sub3A_20, %mul3A_21 : vector<2000x32xf32>
    %get3A_23 = arith.constant 0 : index
    %get3A_24 = arith.constant 0 : index
    %get3A_25 = vector.load %arg5[%get3A_23, %get3A_24] : memref<1x32xf32, #tpu.memory_space<vmem>>, vector<1x32xf32>
    %add3A_26 = vector.broadcast %get3A_25 : vector<1x32xf32> to vector<2000x32xf32>
    %add3A_27 = arith.addf %mul3A_22, %add3A_26 : vector<2000x32xf32>
    %max3A = arith.constant 0.000000e+00 : f32
    %max3A_28 = vector.broadcast %max3A : f32 to vector<2000x32xf32>
    %max3A_29 = arith.maximumf %add3A_27, %max3A_28 : vector<2000x32xf32>
    %swap3A = arith.constant 0 : index
    %swap3A_30 = arith.constant 0 : index
    %swap3A_31 = vector.load %arg6[%swap3A, %swap3A_30] : memref<2000x32xf32, #tpu.memory_space<vmem>>, vector<2000x32xf32>
    tpu.vector_store %arg6[%swap3A, %swap3A_30], %max3A_29 {strides = array<i32>} : memref<2000x32xf32, #tpu.memory_space<vmem>>, vector<2000x32xf32>,
    return
  }
  func.func @transform_0(%arg0: i32) -> (i32, i32) {
    %c0_i32 = arith.constant 0 : i32
    %c0_i32_0 = arith.constant 0 : i32
    return %arg0, %c0_i32 : i32, i32
  }
  func.func @transform_1(%arg0: i32) -> (i32, i32) {
    %c0_i32 = arith.constant 0 : i32
    %c0_i32_0 = arith.constant 0 : i32
    %c0_i32_1 = arith.constant 0 : i32
    return %c0_i32, %c0_i32_0 : i32, i32
  }
  func.func @transform_2(%arg0: i32) -> (i32, i32) {
    %c0_i32 = arith.constant 0 : i32
    %c0_i32_0 = arith.constant 0 : i32
    %c0_i32_1 = arith.constant 0 : i32
    return %c0_i32, %c0_i32_0 : i32, i32
  }
  func.func @transform_3(%arg0: i32) -> (i32, i32) {
    %c0_i32 = arith.constant 0 : i32
    %c0_i32_0 = arith.constant 0 : i32
    %c0_i32_1 = arith.constant 0 : i32
    return %c0_i32, %c0_i32_0 : i32, i32
  }
  func.func @transform_4(%arg0: i32) -> (i32, i32) {
    %c0_i32 = arith.constant 0 : i32
    %c0_i32_0 = arith.constant 0 : i32
    %c0_i32_1 = arith.constant 0 : i32
    return %c0_i32, %c0_i32_0 : i32, i32
  }
  func.func @transform_5(%arg0: i32) -> (i32, i32) {
    %c0_i32 = arith.constant 0 : i32
    %c0_i32_0 = arith.constant 0 : i32
    return %arg0, %c0_i32 : i32, i32
  }
}

module attributes {stable_mosaic.version = 14 : i64} {
  func.func @_econv_body(%arg0: i32, %arg1: memref<128x32xf32, #tpu.memory_space<vmem>>, %arg2: memref<2048x32xf32, #tpu.memory_space<vmem>>, %arg3: memref<32x64xf32, #tpu.memory_space<vmem>>, %arg4: memref<32x64xf32, #tpu.memory_space<vmem>>, %arg5: memref<1x64xf32, #tpu.memory_space<vmem>>, %arg6: memref<128x64xf32, #tpu.memory_space<vmem>>, %arg7: memref<1x64xf32, #tpu.memory_space<vmem>>, %arg8: memref<1x64xf32, #tpu.memory_space<vmem>>) attributes {dimension_semantics = [#tpu.dimension_semantics<arbitrary>], iteration_bounds = array<i64: 80>, scalar_prefetch = 0 : i64, scratch_operands = 0 : i64, tpu.core_type = #tpu.core_type<tc>, window_params = [{transform_indices = @transform_0, window_bounds = array<i64: 128, 32>}, {transform_indices = @transform_1, window_bounds = array<i64: 2048, 32>}, {pipeline_mode = #tpu.pipeline_mode<synchronous>, transform_indices = @transform_2, window_bounds = array<i64: 32, 64>}, {pipeline_mode = #tpu.pipeline_mode<synchronous>, transform_indices = @transform_3, window_bounds = array<i64: 32, 64>}, {pipeline_mode = #tpu.pipeline_mode<synchronous>, transform_indices = @transform_4, window_bounds = array<i64: 1, 64>}, {transform_indices = @transform_5, window_bounds = array<i64: 128, 64>}, {pipeline_mode = #tpu.pipeline_mode<synchronous>, transform_indices = @transform_6, window_bounds = array<i64: 1, 64>}, {pipeline_mode = #tpu.pipeline_mode<synchronous>, transform_indices = @transform_7, window_bounds = array<i64: 1, 64>}]} {
    %get3A = arith.constant 0 : index
    %get3A_0 = arith.constant 0 : index
    %get3A_1 = vector.load %arg1[%get3A, %get3A_0] : memref<128x32xf32, #tpu.memory_space<vmem>>, vector<128x32xf32>
    %broadcast_in_dim3A = vector.shape_cast %get3A_1 : vector<128x32xf32> to vector<128x1x32xf32>
    %broadcast_in_dim3A_2 = vector.shape_cast %broadcast_in_dim3A : vector<128x1x32xf32> to vector<128x1x32xf32>
    %broadcast_in_dim3A_3 = vector.broadcast %broadcast_in_dim3A_2 : vector<128x1x32xf32> to vector<128x16x32xf32>
    %get3A_4 = arith.constant 0 : index
    %get3A_5 = arith.constant 0 : index
    %get3A_6 = vector.load %arg2[%get3A_4, %get3A_5] : memref<2048x32xf32, #tpu.memory_space<vmem>>, vector<2048x32xf32>
    %reshape3A = vector.shape_cast %broadcast_in_dim3A_3 : vector<128x16x32xf32> to vector<2048x32xf32>
    %sub3A = arith.subf %get3A_6, %reshape3A : vector<2048x32xf32>
    %get3A_7 = arith.constant 0 : index
    %get3A_8 = arith.constant 0 : index
    %get3A_9 = vector.load %arg3[%get3A_7, %get3A_8] : memref<32x64xf32, #tpu.memory_space<vmem>>, vector<32x64xf32>
    %dot_general3A = arith.constant dense<0.000000e+00> : vector<128x64xf32>
    %dot_general3A_10 = tpu.matmul %get3A_1, %get3A_9, %dot_general3A {dimension_numbers = #tpu.dot_dimension_numbers<[1], [0], [0], [1], [0, 0, 1, 1], [], []>, transpose_lhs_hint = false} : vector<128x32xf32>, vector<32x64xf32>, vector<128x64xf32> -> vector<128x64xf32>
    %get3A_11 = arith.constant 0 : index
    %get3A_12 = arith.constant 0 : index
    %get3A_13 = vector.load %arg4[%get3A_11, %get3A_12] : memref<32x64xf32, #tpu.memory_space<vmem>>, vector<32x64xf32>
    %dot_general3A_14 = arith.constant dense<0.000000e+00> : vector<2048x64xf32>
    %dot_general3A_15 = tpu.matmul %sub3A, %get3A_13, %dot_general3A_14 {dimension_numbers = #tpu.dot_dimension_numbers<[1], [0], [0], [1], [0, 0, 1, 1], [], []>, transpose_lhs_hint = false} : vector<2048x32xf32>, vector<32x64xf32>, vector<2048x64xf32> -> vector<2048x64xf32>
    %reshape3A_16 = vector.shape_cast %dot_general3A_15 : vector<2048x64xf32> to vector<128x16x64xf32>
    %broadcast_in_dim3A_17 = vector.shape_cast %dot_general3A_10 : vector<128x64xf32> to vector<128x1x64xf32>
    %add3A = vector.broadcast %broadcast_in_dim3A_17 : vector<128x1x64xf32> to vector<128x16x64xf32>
    %add3A_18 = arith.addf %reshape3A_16, %add3A : vector<128x16x64xf32>
    %get3A_19 = arith.constant 0 : index
    %get3A_20 = arith.constant 0 : index
    %get3A_21 = vector.load %arg5[%get3A_19, %get3A_20] : memref<1x64xf32, #tpu.memory_space<vmem>>, vector<1x64xf32>
    %broadcast_in_dim3A_22 = vector.shape_cast %get3A_21 : vector<1x64xf32> to vector<1x1x64xf32>
    %add3A_23 = vector.broadcast %broadcast_in_dim3A_22 : vector<1x1x64xf32> to vector<128x16x64xf32>
    %add3A_24 = arith.addf %add3A_18, %add3A_23 : vector<128x16x64xf32>
    %reduce_max3A = arith.constant dense<0xFF800000> : vector<128x64xf32>
    %reduce_max3A_25 = vector.multi_reduction <maximumf>, %add3A_24, %reduce_max3A [1] : vector<128x16x64xf32> to vector<128x64xf32>
    %swap3A = arith.constant 0 : index
    %swap3A_26 = arith.constant 0 : index
    %swap3A_27 = vector.load %arg6[%swap3A, %swap3A_26] : memref<128x64xf32, #tpu.memory_space<vmem>>, vector<128x64xf32>
    tpu.vector_store %arg6[%swap3A, %swap3A_26], %reduce_max3A_25 {strides = array<i32>} : memref<128x64xf32, #tpu.memory_space<vmem>>, vector<128x64xf32>,
    %mul3A = arith.constant 128 : i32
    %mul3A_28 = arith.muli %arg0, %mul3A : i32
    %iota3A = tpu.iota {dimensions = array<i32: 0>} : vector<128x16x64xi32>
    %add3A_29 = vector.broadcast %mul3A_28 : i32 to vector<128x16x64xi32>
    %add3A_30 = arith.addi %add3A_29, %iota3A : vector<128x16x64xi32>
    %lt3A = arith.constant 10000 : i32
    %lt3A_31 = vector.broadcast %lt3A : i32 to vector<128x16x64xi32>
    %lt3A_32 = arith.cmpi slt, %add3A_30, %lt3A_31 : vector<128x16x64xi32>
    %jit3A = arith.constant 0.000000e+00 : f32
    %broadcast_in_dim3A_33 = vector.broadcast %jit3A : f32 to vector<128x16x64xf32>
    %select_n3A = arith.select %lt3A_32, %add3A_24, %broadcast_in_dim3A_33 : vector<128x16x64xi1>, vector<128x16x64xf32>
    %reduce_sum3A = arith.constant dense<0.000000e+00> : vector<64xf32>
    %reduce_sum3A_34 = vector.multi_reduction <add>, %select_n3A, %reduce_sum3A [0, 1] : vector<128x16x64xf32> to vector<64xf32>
    %broadcast_in_dim3A_35 = vector.shape_cast %reduce_sum3A_34 : vector<64xf32> to vector<1x64xf32>
    %mul3A_36 = arith.mulf %select_n3A, %select_n3A : vector<128x16x64xf32>
    %reduce_sum3A_37 = arith.constant dense<0.000000e+00> : vector<64xf32>
    %reduce_sum3A_38 = vector.multi_reduction <add>, %mul3A_36, %reduce_sum3A_37 [0, 1] : vector<128x16x64xf32> to vector<64xf32>
    %broadcast_in_dim3A_39 = vector.shape_cast %reduce_sum3A_38 : vector<64xf32> to vector<1x64xf32>
    %eq3A = arith.constant 0 : i32
    %eq3A_40 = arith.cmpi eq, %arg0, %eq3A : i32
    %convert_element_type3A = arith.extui %eq3A_40 : i1 to i32
    %cond3A = arith.constant 0 : i32
    %cond3A_41 = arith.cmpi ne, %convert_element_type3A, %cond3A : i32
    scf.if %cond3A_41 {
      %broadcast_in_dim3A_56 = arith.constant 0.000000e+00 : f32
      %broadcast_in_dim3A_57 = vector.broadcast %broadcast_in_dim3A_56 : f32 to vector<1x64xf32>
      %swap3A_58 = arith.constant 0 : index
      %swap3A_59 = arith.constant 0 : index
      %swap3A_60 = vector.load %arg7[%swap3A_58, %swap3A_59] : memref<1x64xf32, #tpu.memory_space<vmem>>, vector<1x64xf32>
      tpu.vector_store %arg7[%swap3A_58, %swap3A_59], %broadcast_in_dim3A_57 {strides = array<i32>} : memref<1x64xf32, #tpu.memory_space<vmem>>, vector<1x64xf32>,
      %broadcast_in_dim3A_61 = arith.constant 0.000000e+00 : f32
      %broadcast_in_dim3A_62 = vector.broadcast %broadcast_in_dim3A_61 : f32 to vector<1x64xf32>
      %swap3A_63 = arith.constant 0 : index
      %swap3A_64 = arith.constant 0 : index
      %swap3A_65 = vector.load %arg8[%swap3A_63, %swap3A_64] : memref<1x64xf32, #tpu.memory_space<vmem>>, vector<1x64xf32>
      tpu.vector_store %arg8[%swap3A_63, %swap3A_64], %broadcast_in_dim3A_62 {strides = array<i32>} : memref<1x64xf32, #tpu.memory_space<vmem>>, vector<1x64xf32>,
    } else {
    }
    %get3A_42 = arith.constant 0 : index
    %get3A_43 = arith.constant 0 : index
    %get3A_44 = vector.load %arg7[%get3A_42, %get3A_43] : memref<1x64xf32, #tpu.memory_space<vmem>>, vector<1x64xf32>
    %add3A_45 = arith.addf %get3A_44, %broadcast_in_dim3A_35 : vector<1x64xf32>
    %swap3A_46 = arith.constant 0 : index
    %swap3A_47 = arith.constant 0 : index
    %swap3A_48 = vector.load %arg7[%swap3A_46, %swap3A_47] : memref<1x64xf32, #tpu.memory_space<vmem>>, vector<1x64xf32>
    tpu.vector_store %arg7[%swap3A_46, %swap3A_47], %add3A_45 {strides = array<i32>} : memref<1x64xf32, #tpu.memory_space<vmem>>, vector<1x64xf32>,
    %get3A_49 = arith.constant 0 : index
    %get3A_50 = arith.constant 0 : index
    %get3A_51 = vector.load %arg8[%get3A_49, %get3A_50] : memref<1x64xf32, #tpu.memory_space<vmem>>, vector<1x64xf32>
    %add3A_52 = arith.addf %get3A_51, %broadcast_in_dim3A_39 : vector<1x64xf32>
    %swap3A_53 = arith.constant 0 : index
    %swap3A_54 = arith.constant 0 : index
    %swap3A_55 = vector.load %arg8[%swap3A_53, %swap3A_54] : memref<1x64xf32, #tpu.memory_space<vmem>>, vector<1x64xf32>
    tpu.vector_store %arg8[%swap3A_53, %swap3A_54], %add3A_52 {strides = array<i32>} : memref<1x64xf32, #tpu.memory_space<vmem>>, vector<1x64xf32>,
    return
  }
  func.func @transform_0(%arg0: i32) -> (i32, i32) {
    %c0_i32 = arith.constant 0 : i32
    %c0_i32_0 = arith.constant 0 : i32
    return %arg0, %c0_i32 : i32, i32
  }
  func.func @transform_1(%arg0: i32) -> (i32, i32) {
    %c0_i32 = arith.constant 0 : i32
    %c0_i32_0 = arith.constant 0 : i32
    return %arg0, %c0_i32 : i32, i32
  }
  func.func @transform_2(%arg0: i32) -> (i32, i32) {
    %c0_i32 = arith.constant 0 : i32
    %c0_i32_0 = arith.constant 0 : i32
    %c0_i32_1 = arith.constant 0 : i32
    return %c0_i32, %c0_i32_0 : i32, i32
  }
  func.func @transform_3(%arg0: i32) -> (i32, i32) {
    %c0_i32 = arith.constant 0 : i32
    %c0_i32_0 = arith.constant 0 : i32
    %c0_i32_1 = arith.constant 0 : i32
    return %c0_i32, %c0_i32_0 : i32, i32
  }
  func.func @transform_4(%arg0: i32) -> (i32, i32) {
    %c0_i32 = arith.constant 0 : i32
    %c0_i32_0 = arith.constant 0 : i32
    %c0_i32_1 = arith.constant 0 : i32
    return %c0_i32, %c0_i32_0 : i32, i32
  }
  func.func @transform_5(%arg0: i32) -> (i32, i32) {
    %c0_i32 = arith.constant 0 : i32
    %c0_i32_0 = arith.constant 0 : i32
    return %arg0, %c0_i32 : i32, i32
  }
  func.func @transform_6(%arg0: i32) -> (i32, i32) {
    %c0_i32 = arith.constant 0 : i32
    %c0_i32_0 = arith.constant 0 : i32
    %c0_i32_1 = arith.constant 0 : i32
    return %c0_i32, %c0_i32_0 : i32, i32
  }
  func.func @transform_7(%arg0: i32) -> (i32, i32) {
    %c0_i32 = arith.constant 0 : i32
    %c0_i32_0 = arith.constant 0 : i32
    %c0_i32_1 = arith.constant 0 : i32
    return %c0_i32, %c0_i32_0 : i32, i32
  }
}

module attributes {stable_mosaic.version = 14 : i64} {
  func.func @_combine_body(%arg0: i32, %arg1: memref<2000x64xf32, #tpu.memory_space<vmem>>, %arg2: memref<1x64xf32, #tpu.memory_space<vmem>>, %arg3: memref<1x64xf32, #tpu.memory_space<vmem>>, %arg4: memref<1x64xf32, #tpu.memory_space<vmem>>, %arg5: memref<1x64xf32, #tpu.memory_space<vmem>>, %arg6: memref<2000x64xf32, #tpu.memory_space<vmem>>) attributes {dimension_semantics = [#tpu.dimension_semantics<arbitrary>], iteration_bounds = array<i64: 5>, scalar_prefetch = 0 : i64, scratch_operands = 0 : i64, tpu.core_type = #tpu.core_type<tc>, window_params = [{transform_indices = @transform_0, window_bounds = array<i64: 2000, 64>}, {pipeline_mode = #tpu.pipeline_mode<synchronous>, transform_indices = @transform_1, window_bounds = array<i64: 1, 64>}, {pipeline_mode = #tpu.pipeline_mode<synchronous>, transform_indices = @transform_2, window_bounds = array<i64: 1, 64>}, {pipeline_mode = #tpu.pipeline_mode<synchronous>, transform_indices = @transform_3, window_bounds = array<i64: 1, 64>}, {pipeline_mode = #tpu.pipeline_mode<synchronous>, transform_indices = @transform_4, window_bounds = array<i64: 1, 64>}, {transform_indices = @transform_5, window_bounds = array<i64: 2000, 64>}]} {
    %get3A = arith.constant 0 : index
    %get3A_0 = arith.constant 0 : index
    %get3A_1 = vector.load %arg2[%get3A, %get3A_0] : memref<1x64xf32, #tpu.memory_space<vmem>>, vector<1x64xf32>
    %div3A = arith.constant 1.600000e+05 : f32
    %div3A_2 = vector.broadcast %div3A : f32 to vector<1x64xf32>
    %div3A_3 = arith.divf %get3A_1, %div3A_2 : vector<1x64xf32>
    %get3A_4 = arith.constant 0 : index
    %get3A_5 = arith.constant 0 : index
    %get3A_6 = vector.load %arg3[%get3A_4, %get3A_5] : memref<1x64xf32, #tpu.memory_space<vmem>>, vector<1x64xf32>
    %div3A_7 = arith.constant 1.600000e+05 : f32
    %div3A_8 = vector.broadcast %div3A_7 : f32 to vector<1x64xf32>
    %div3A_9 = arith.divf %get3A_6, %div3A_8 : vector<1x64xf32>
    %mul3A = arith.mulf %div3A_3, %div3A_3 : vector<1x64xf32>
    %sub3A = arith.subf %div3A_9, %mul3A : vector<1x64xf32>
    %get3A_10 = arith.constant 0 : index
    %get3A_11 = arith.constant 0 : index
    %get3A_12 = vector.load %arg4[%get3A_10, %get3A_11] : memref<1x64xf32, #tpu.memory_space<vmem>>, vector<1x64xf32>
    %add3A = arith.constant 9.99999974E-6 : f32
    %add3A_13 = vector.broadcast %add3A : f32 to vector<1x64xf32>
    %add3A_14 = arith.addf %sub3A, %add3A_13 : vector<1x64xf32>
    %rsqrt3A = math.rsqrt %add3A_14 : vector<1x64xf32>
    %mul3A_15 = arith.mulf %get3A_12, %rsqrt3A : vector<1x64xf32>
    %get3A_16 = arith.constant 0 : index
    %get3A_17 = arith.constant 0 : index
    %get3A_18 = vector.load %arg1[%get3A_16, %get3A_17] : memref<2000x64xf32, #tpu.memory_space<vmem>>, vector<2000x64xf32>
    %sub3A_19 = vector.broadcast %div3A_3 : vector<1x64xf32> to vector<2000x64xf32>
    %sub3A_20 = arith.subf %get3A_18, %sub3A_19 : vector<2000x64xf32>
    %mul3A_21 = vector.broadcast %mul3A_15 : vector<1x64xf32> to vector<2000x64xf32>
    %mul3A_22 = arith.mulf %sub3A_20, %mul3A_21 : vector<2000x64xf32>
    %get3A_23 = arith.constant 0 : index
    %get3A_24 = arith.constant 0 : index
    %get3A_25 = vector.load %arg5[%get3A_23, %get3A_24] : memref<1x64xf32, #tpu.memory_space<vmem>>, vector<1x64xf32>
    %add3A_26 = vector.broadcast %get3A_25 : vector<1x64xf32> to vector<2000x64xf32>
    %add3A_27 = arith.addf %mul3A_22, %add3A_26 : vector<2000x64xf32>
    %max3A = arith.constant 0.000000e+00 : f32
    %max3A_28 = vector.broadcast %max3A : f32 to vector<2000x64xf32>
    %max3A_29 = arith.maximumf %add3A_27, %max3A_28 : vector<2000x64xf32>
    %swap3A = arith.constant 0 : index
    %swap3A_30 = arith.constant 0 : index
    %swap3A_31 = vector.load %arg6[%swap3A, %swap3A_30] : memref<2000x64xf32, #tpu.memory_space<vmem>>, vector<2000x64xf32>
    tpu.vector_store %arg6[%swap3A, %swap3A_30], %max3A_29 {strides = array<i32>} : memref<2000x64xf32, #tpu.memory_space<vmem>>, vector<2000x64xf32>,
    return
  }
  func.func @transform_0(%arg0: i32) -> (i32, i32) {
    %c0_i32 = arith.constant 0 : i32
    %c0_i32_0 = arith.constant 0 : i32
    return %arg0, %c0_i32 : i32, i32
  }
  func.func @transform_1(%arg0: i32) -> (i32, i32) {
    %c0_i32 = arith.constant 0 : i32
    %c0_i32_0 = arith.constant 0 : i32
    %c0_i32_1 = arith.constant 0 : i32
    return %c0_i32, %c0_i32_0 : i32, i32
  }
  func.func @transform_2(%arg0: i32) -> (i32, i32) {
    %c0_i32 = arith.constant 0 : i32
    %c0_i32_0 = arith.constant 0 : i32
    %c0_i32_1 = arith.constant 0 : i32
    return %c0_i32, %c0_i32_0 : i32, i32
  }
  func.func @transform_3(%arg0: i32) -> (i32, i32) {
    %c0_i32 = arith.constant 0 : i32
    %c0_i32_0 = arith.constant 0 : i32
    %c0_i32_1 = arith.constant 0 : i32
    return %c0_i32, %c0_i32_0 : i32, i32
  }
  func.func @transform_4(%arg0: i32) -> (i32, i32) {
    %c0_i32 = arith.constant 0 : i32
    %c0_i32_0 = arith.constant 0 : i32
    %c0_i32_1 = arith.constant 0 : i32
    return %c0_i32, %c0_i32_0 : i32, i32
  }
  func.func @transform_5(%arg0: i32) -> (i32, i32) {
    %c0_i32 = arith.constant 0 : i32
    %c0_i32_0 = arith.constant 0 : i32
    return %arg0, %c0_i32 : i32, i32
  }
}

</mosaic_0001>

<sc_bundles>
// kernel: kernel.12.cloned.1.call-start
scs
__scs_entry_jumppad:
0x0: {  	(pc) =	sbr.rel $0x88, $3  }
0x1: {  	(tag) =	ssettag $0x0;
	lr =	simm.s32 $0x1  }
0x2: {  	[smem:$0x3F98] =	sst lr;
	_ =	strace $0xD0000000  }
0x3: {  	_ = 	snop  }
0x4: {  	_ = 	snop  }
0x5: {  	_ = 	snop  }
0x6: {  	_ = 	snop  }
0x7: {  	_ = 	snop  }
__scs_overlays_trampoline_lowered:
0x8: {  	[smem:$0x3FA7] =	sst s0  }
0x9: {  	[smem:$0x3FA8] =	sst s1  }
0xa: {  	[smem:$0x3FA9] =	sst s2  }
0xb: {  	[smem:$0x3FAA] =	sst s3  }
0xc: {  	[smem:$0x3FAB] =	sst s4  }
0xd: {  	[smem:$0x3FAC] =	sst s5  }
0xe: {  	[smem:$0x3FAD] =	sst s6  }
0xf: {  	[smem:$0x3FAE] =	sst s7  }
0x10: {  	[smem:$0x3FAF] =	sst s8  }
0x11: {  	[smem:$0x3FB0] =	sst s9;
	s0 =	simm.s32 @!p0 $0x0  }
0x12: {  	s1 =	sld [smem:$0x3F96];
	s0 =	simm.s32 @p0 $0x1  }
0x13: {  	[smem:$0x3FB1] =	sst s0;
	s0 =	simm.s32 @!p1 $0x0  }
0x14: {  	s2 =	sld [smem:$0x3F95];
	s0 =	simm.s32 @p1 $0x1  }
0x15: {  	[smem:$0x3FB2] =	sst s0;
	s0 =	simm.s32 @!p2 $0x0  }
0x16: {  	s3 =	sld [smem:$0x3FDB];
	s0 =	simm.s32 @p2 $0x1  }
0x17: {  	s4 =	simm.s32 $0x1BF5;
	[smem:$0x3FB4] =	sst s0  }
0x18: {  	s0 =	sld [smem:$0x3F97];
	_ =	swait.ge [sflag:s4], $0x0  }
0x19: {  	s7 =	sld [smem:$0x3F98]  }
0x1a: {  	s8 =	sadd.s32 $0xFFFFE003, lr  }
0x1b: {  	s9 =	sadd.s32 $0xFFFFFEF7, lr;
	s5 =	simm.s32 $0xFFFFFFFF;
	p2 =	slt.u32 s8, $0xFFFFF086  }
0x1c: {  	p1 =	slt.u32 s9, $0xF7A;
	s5 =	simm.s32 @!p2 $0x0  }
0x1d: {  	s5 =	simm.s32 @p1 $0x1;
	p0 =	seq.s32 s7, s2  }
0x1e: {  	s7 =	smul.u32 @!p0 $0xF7A, s2;
	p2 =	seq.s32 @!p0 s5, $0x0  }
0x1f: {  	s9 =	smul.u32 $0xF7A, s1;
	s8 =	simm.s32 @!p0 $0x1BF5;
	p2 =	por !p2, p0  }
0x20: {  	[sflag:s8] =	ssyncset.s32 @!p0 $0xFFFFF086;
	s6 =	sadd.s32 @!p0 s3, s7;
	s7 =	simm.s32 @!p0 $0x108  }
0x21: {  	s3 =	sadd.s32 s3, s9;
	s6 =	sadd.s32 @!p0 $0x88, s6;
	s7 =	simm.s32 @p2 $0x1082  }
0x22: {  	[simem:s7], [sflag:s8] =	dma.local @!p0 [hbm:s6], $0xF7A  }
0x23: {  	s9 =	sor.u32 $0xD0000000, s2;
	s6 =	simm.s32 $0x108;
	_ =	swait.ge @!p0 [sflag:s8], $0x0  }
0x24: {  	s3 =	sadd.s32 $0x88, s3;
	s6 =	simm.s32 @!p1 $0x1082;
	[sflag:s4] =	ssyncset.s32 $0xFFFFF086  }
0x25: {  	[simem:s6], [sflag:s4] =	dma.local [hbm:s3], $0xF7A  }
0x26: {  	[smem:$0x3F98] =	sst s1;
	(tag) =	ssettag s2;
	_ =	strace s9  }
0x27: {  	s1 =	sld [smem:$0x3FA8]  }
0x28: {  	s2 =	sld [smem:$0x3FA9]  }
0x29: {  	s4 =	sld [smem:$0x3FAB]  }
0x2a: {  	p0 =	seq.s32 s5, $0x0;
	s5 =	sld [smem:$0x3FAC]  }
0x2b: {  	s6 =	sld [smem:$0x3FAD]  }
0x2c: {  	s7 =	sld [smem:$0x3FAE]  }
0x2d: {  	s3 =	simm.s32 $0x108;
	s8 =	sld [smem:$0x3FAF]  }
0x2e: {  	s3 =	simm.s32 @!p0 $0x1082;
	s9 =	sld [smem:$0x3FB0]  }
0x2f: {  	lr =	sadd.s32 s0, s3;
	s0 =	sld [smem:$0x3FA7]  }
0x30: {  	s3 =	sld [smem:$0x3FAA]  }
0x31: {  	[smem:$0x3FB3] =	sst s10  }
0x32: {  	s10 =	sld [smem:$0x3FB1];
	_ =	sdelay $0x3  }
0x33: {  	p0 =	seq.s32 s10, $0x1;
	s10 =	sld [smem:$0x3FB3];
	_ =	sdelay $0x3  }
0x34: {  	[smem:$0x3FB3] =	sst s10  }
0x35: {  	s10 =	sld [smem:$0x3FB2];
	_ =	sdelay $0x3  }
0x36: {  	p1 =	seq.s32 s10, $0x1;
	s10 =	sld [smem:$0x3FB3];
	_ =	sdelay $0x3  }
0x37: {  	[smem:$0x3FB3] =	sst s10  }
0x38: {  	s10 =	sld [smem:$0x3FB4]  }
0x39: {  	_ = 	snop;
	(pc) =	sbr.ind lr, $3  }
0x3a: {  	_ = 	snop  }
0x3b: {  	_ = 	snop  }
0x3c: {  	p2 =	seq.s32 s10, $0x1;
	s10 =	sld [smem:$0x3FB3]  }
0x3d: {  	_ =	shalt  }
0x3e: {  	_ =	shalt  }
0x3f: {  	_ =	shalt  }
0x40: {  	_ =	shalt  }
0x41: {  	_ =	shalt  }
0x42: {  	_ =	shalt  }
0x43: {  	_ =	shalt  }
0x44: {  	_ =	shalt  }
0x45: {  	_ =	shalt  }
0x46: {  	_ =	shalt  }
0x47: {  	_ =	shalt  }
0x48: {  	_ =	shalt  }
0x49: {  	_ =	shalt  }
0x4a: {  	_ =	shalt  }
0x4b: {  	_ =	shalt  }
0x4c: {  	_ =	shalt  }
0x4d: {  	_ =	shalt  }
0x4e: {  	_ =	shalt  }
0x4f: {  	_ =	shalt  }
0x50: {  	_ =	shalt  }
0x51: {  	_ =	shalt  }
0x52: {  	_ =	shalt  }
0x53: {  	_ =	shalt  }
0x54: {  	_ =	shalt  }
0x55: {  	_ =	shalt  }
0x56: {  	_ =	shalt  }
0x57: {  	_ =	shalt  }
0x58: {  	_ =	shalt  }
0x59: {  	_ =	shalt  }
0x5a: {  	_ =	shalt  }
0x5b: {  	_ =	shalt  }
0x5c: {  	_ =	shalt  }
0x5d: {  	_ =	shalt  }
0x5e: {  	_ =	shalt  }
0x5f: {  	_ =	shalt  }
0x60: {  	_ =	shalt  }
0x61: {  	_ =	shalt  }
0x62: {  	_ =	shalt  }
0x63: {  	_ =	shalt  }
0x64: {  	_ =	shalt  }
0x65: {  	_ =	shalt  }
0x66: {  	_ =	shalt  }
0x67: {  	_ =	shalt  }
0x68: {  	_ =	shalt  }
0x69: {  	_ =	shalt  }
0x6a: {  	_ =	shalt  }
0x6b: {  	_ =	shalt  }
0x6c: {  	_ =	shalt  }
0x6d: {  	_ =	shalt  }
0x6e: {  	_ =	shalt  }
0x6f: {  	_ =	shalt  }
0x70: {  	_ =	shalt  }
0x71: {  	_ =	shalt  }
0x72: {  	_ =	shalt  }
0x73: {  	_ =	shalt  }
0x74: {  	_ =	shalt  }
0x75: {  	_ =	shalt  }
0x76: {  	_ =	shalt  }
0x77: {  	_ =	shalt  }
0x78: {  	_ =	shalt  }
0x79: {  	_ =	shalt  }
0x7a: {  	_ =	shalt  }
0x7b: {  	_ =	shalt  }
0x7c: {  	_ =	shalt  }
0x7d: {  	_ =	shalt  }
0x7e: {  	_ =	shalt  }
0x7f: {  	_ =	shalt  }
0x80: {  	_ =	shalt  }
0x81: {  	_ =	shalt  }
0x82: {  	_ =	shalt  }
0x83: {  	_ =	shalt  }
0x84: {  	_ =	shalt  }
0x85: {  	_ =	shalt  }
0x86: {  	_ =	shalt  }
0x87: {  	_ =	shalt  }
.Lfunc_end0:
.L_simem_size_0:
called_computation.1_lowered:
.L_overlay_start_0:
0x88: {  	s2 =	sld [smem:$0x3FD9]  }
0x89: {  	s3 =	sld [smem:$0x3FFE];
	_ =	sdelay $0x1  }
0x8a: {  	s1 =	srdreg.scid  }
0x8b: {  	s0 =	sand.u32 $0x1, s1  }
0x8c: {  	s17 =	sshll.u32 s0, $0xA;
	s2 =	sadd.s32 s3, s2  }
0x8d: {  	s2 =	sadd.s32 s2, s17  }
0x8e: {  	[smem:$0x3FBF] =	sst s2  }
0x8f: {  	_ = 	snop  }
0x90: {  	s2 =	sld [smem:$0x3FD0];
	(tm) =	ssettm $0x1  }
0x91: {  	s18 =	sld [smem:$0x3FFB];
	_ =	sdelay $0x3  }
0x92: {  	_ =	strace s18  }
0x93: {  	s3 =	sld [smem:$0x3FFC];
	_ =	sdelay $0x3  }
0x94: {  	_ =	strace s3  }
0x95: {  	s3 =	sld [smem:$0x3FFD];
	_ =	sdelay $0x3  }
0x96: {  	_ =	strace s3  }
0x97: {  	_ =	strace $0x8FFFFFFF  }
0x98: {  	s19 =	sld [smem:$0x3FDB];
	_ =	sdelay $0x1  }
0x99: {  	s4 =	simm.s32 $_scs_section_size  }
0x9a: {  	s5 =	simm.s32 $_size__tile_overlayer_lowered;
	s6 =	simm.s32 $_tile_overlayer_lowered  }
0x9b: {  	s22 =	simm.s32 $0x1BFF;
	s21 =	sshll.u32 s6, $0x1;
	s3 =	sadd.s32 s4, s19  }
0x9c: {  	s7 =	simm.s32 $0x0;
	s20 =	sshll.u32 s5, $0x1;
	s5 =	sadd.s32 s21, s3  }
0x9d: {  	[timem:s7], [sflag:s22] =	dma.local [hbm:s5], s20  }
0x9e: {  	_ =	swait.ge [sflag:s22], s20  }
0x9f: {  	s4 =	ssub.s32 $0x0, s20;
	[sflag:s22] =	ssyncset.done $0x0  }
0xa0: {  	[sflag:s22] =	ssyncadd.s32 s4;
	_ =	sdelay $0x1  }
0xa1: {  	s23 =	simm.s32 $0x1B8B  }
0xa2: {  	_ =	swait.ge [sflag:s23], $0x1  }
0xa3: {  	[sflag:s23] =	ssyncset.done $0x0  }
0xa4: {  	s25 =	simm.s32 $0x1B8E;
	s24 =	sld [smem:$0x3FFE];
	[sflag:s23] =	ssyncadd.s32 $0xFFFFFFFF  }
0xa5: {  	s26 =	simm.s32 $execute0_lowered;
	[smem:$0x3FD2] =	sst s25  }
0xa6: {  	s5 =	sshll.u32 s26, $0x1;
	_ =	strace $0x80000049;
	[dreg:$0x1] =	wrdreg $0xFFFFFFFF  }
0xa7: {  	s28 =	simm.s32 $_size_execute0_lowered;
	s3 =	sadd.s32 s3, s5;
	[dreg:$0x0] =	wrdreg $0x0  }
0xa8: {  	s5 =	sshll.u32 s28, $0x1;
	[dreg:$0x2] =	wrdreg s3  }
0xa9: {  	[dreg:$0x3] =	wrdreg s5  }
0xaa: {  	[dreg:$0x4] =	wrdreg $0xC0  }
0xab: {  	_ =	task [dreg:s7], $0x5FFFF  }
0xac: {  	[dreg:$0x1] =	wrdreg $0xFFFFFFFF  }
0xad: {  	[dreg:$0x0] =	wrdreg $0x60  }
0xae: {  	[dreg:$0x2] =	wrdreg s2  }
0xaf: {  	[dreg:$0x3] =	wrdreg s24  }
0xb0: {  	[dreg:$0x4] =	wrdreg $0x9  }
0xb1: {  	_ =	task.clear_ibuf [dreg:s7], $0x5FFFF;
	_ =	strace $0x90000049  }
0xb2: {  	s29 =	simm.s32 $0x9;
	_ =	strace $0x8000004B  }
0xb3: {  	_ =	swait.ge [sflag:s29], $0x1  }
0xb4: {  	[sflag:s29] =	ssyncadd.s32 $0xFFFFFFFF  }
0xb5: {  	_ =	strace $0x9000004B  }
0xb6: {  	_ =	sfence  }
0xb7: {  	s30 =	sld [smem:$0x0];
	_ =	sdelay $0x2  }
0xb8: {  	s31 =	sshll.u32 s1, $0xD;
	s1 =	sshrl.u32 s1, $0x2  }
0xb9: {  	s3 =	sand.u32 $0x4000, s31;
	s1 =	sadd.s32 s1, s30  }
0xba: {  	s0 =	sor.u32 s3, s0;
	s1 =	sshll.u32 s1, $0x11  }
0xbb: {  	s0 =	sor.u32 s1, s0  }
0xbc: {  	s0 =	sadd.s32 $0x8F2B, s0  }
0xbd: {  	[sflag:s0] =	ssyncadd.remote.s32 $0x1  }
0xbe: {  	_ =	sfence.sel $0xFFFF  }
0xbf: {  	[dreg:$0x0] =	wrdreg $0xFFFFFFFF;
	(pc) =	sbr.abs _section_cstart, $3  }
0xc0: {  	[dreg:$0x1] =	wrdreg $0xFFFFFFFF  }
0xc1: {  	_ =	task.clear_ibuf [dreg:s7], $0x2FFFF;
	_ =	strace $0x9FFFFFFF  }
0xc2: {  	(tm) =	ssettm $0x7FFFFFFF  }
0xc3: {  	_ =	shalt  }
tec
execute0_lowered:
.L_overlay_start_1:
0x0: {  	(tag) =	ssettag $0x1  }
0x1: {  	s2 =	rddreg [dreg:$0x0];
	s1 =	srdreg.scid  }
0x2: {  	s0 =	stileid.u32;
	s4 =	rddreg [dreg:$0x1];
	s3 =	simm.s32 $0x0  }
0x3: {  	s11 =	simm.s32 $0x3400;
	s12 =	simm.s32 $0x4400;
	s13 =	simm.s32 $0x1  }
0x4: {  	s14 =	simm.s32 $0x0;
	s5 =	sand.u32 $0x1, s1;
	s1 =	rddreg [dreg:$0x2]  }
0x5: {  	s6 =	sshll.u32 s0, $0x1;
	[smem:$0x7FF] =	sst s3;
	s7 =	smul.u32 $0xA000, s0  }
0x6: {  	s6 =	sor.u32 s5, s6;
	s8 =	ssub.s32 $0x2, s5;
	s10 =	smul.u32 $0x5000, s5  }
0x7: {  	_ =	strace $0x8000004A;
	s6 =	smul.u32 $0x1400, s6;
	s9 =	sshrl.u32 s8, $0x1  }
0x8: {  	s30 =	sadd.s32 s7, s4;
	s7 =	simm.s32 $0x2;
	s31 =	ssub.s32 s8, s9  }
0x9: {  	s8 =	simm.s32 $0x80;
	s9 =	simm.s32 $0x1400;
	s6 =	sshrl.u32 s6, $0x3  }
0xa: {  	s5 =	smax.u32 s31, $0x1;
	s29 =	sadd.s32 s6, s4;
	s6 =	sadd.s32 s10, s30  }
0xb: {  	s10 =	simm.s32 $0x2400;
	s4 =	sadd.s32 $0x2200, s29;
	s6 =	sadd.s32 $0x7200, s6  }
.LBB2_1:
0xc: {  	[tilespmem:s3], [sflag:$0x2] =	stream.linear.gather [hbm4b:s4+s3], $0x1400, $0x38;
	[tilespmem:$0x5400] =	vst v63  }
0xd: {  	_ =	swait.ge [sflag:s7], $0x1400  }
0xe: {  	[sflag:s7] =	ssyncset.done $0x0  }
0xf: {  	s15 =	simm.s32 $0x0;
	[sflag:s7] =	ssyncadd.s32 $0xFFFFEC00  }
0x10: {  	[tilespmem:s9], [sflag:$0x1] =	stream.indirect.gather [hbm4b:s2+s8], $0x20, s15, s8, $0xb8;
	[tilespmem:$0x5400] =	vst v63  }
0x11: {  	s28 =	simm.s32 $0x80  }
0x12: {  	[tilespmem:s10], [sflag:$0x1] =	stream.indirect.gather [hbm4b:s2+s8], $0x20, s28, s8, $0xb8;
	[tilespmem:$0x5400] =	vst v63  }
0x13: {  	s29 =	simm.s32 $0x100  }
0x14: {  	[tilespmem:s11], [sflag:$0x1] =	stream.indirect.gather [hbm4b:s2+s8], $0x20, s29, s8, $0xb8;
	[tilespmem:$0x5400] =	vst v63  }
0x15: {  	s30 =	simm.s32 $0x180  }
0x16: {  	[tilespmem:s12], [sflag:$0x1] =	stream.indirect.gather [hbm4b:s2+s8], $0x20, s30, s8, $0xb8;
	[tilespmem:$0x5400] =	vst v63  }
0x17: {  	_ =	swait.ge [sflag:s13], $0x1000  }
0x18: {  	[sflag:s13] =	ssyncset.done $0x0  }
0x19: {  	[sflag:s13] =	ssyncadd.s32 $0xFFFFF000  }
0x1a: {  	_ =	swait.ge [sflag:s13], $0x1000  }
0x1b: {  	[sflag:s13] =	ssyncset.done $0x0  }
0x1c: {  	[sflag:s13] =	ssyncadd.s32 $0xFFFFF000  }
0x1d: {  	_ =	swait.ge [sflag:s13], $0x1000  }
0x1e: {  	[sflag:s13] =	ssyncset.done $0x0  }
0x1f: {  	[sflag:s13] =	ssyncadd.s32 $0xFFFFF000  }
0x20: {  	_ =	swait.ge [sflag:s13], $0x1000  }
0x21: {  	[sflag:s13] =	ssyncset.done $0x0  }
0x22: {  	s31 =	sadd.s32 $0x0, s6;
	[sflag:s13] =	ssyncadd.s32 $0xFFFFF000  }
0x23: {  	[hbm4b:s31+s3] =	stream.linear.scatter [tilespmem:s9], [sflag:$0x2], $0x4000, $0x38;
	[tilespmem:$0x5400] =	vst v63  }
0x24: {  	_ =	swait.ge [sflag:s7], $0x4000  }
0x25: {  	s16 =	simm.s32 $0x1000;
	s15 =	simm.s32 $0x800;
	[sflag:s7] =	ssyncset.done $0x0  }
.LBB2_2:
0x26: {  	s17 =	sshra.s32 s15, $0x2  }
0x27: {  	[sflag:s7] =	ssyncadd.s32 $0xFFFFC000;
	s18 =	smov.u32 s16;
	s19 =	sadd.s32 $0x800, s16  }
0x28: {  	[tilespmem:s9], [sflag:$0x1] =	stream.indirect.gather [hbm4b:s2+s8], $0x20, s17, s8, $0xb8;
	[tilespmem:$0x5400] =	vst v63  }
0x29: {  	p0 =	sne.s32 s16, $0x4800;
	s16 =	sadd.s32 $0x80, s17  }
0x2a: {  	[tilespmem:s10], [sflag:$0x1] =	stream.indirect.gather [hbm4b:s2+s8], $0x20, s16, s8, $0xb8;
	[tilespmem:$0x5400] =	vst v63  }
0x2b: {  	s16 =	sadd.s32 $0x100, s17  }
0x2c: {  	[tilespmem:s11], [sflag:$0x1] =	stream.indirect.gather [hbm4b:s2+s8], $0x20, s16, s8, $0xb8;
	[tilespmem:$0x5400] =	vst v63  }
0x2d: {  	s16 =	sadd.s32 $0x180, s17  }
0x2e: {  	[tilespmem:s12], [sflag:$0x1] =	stream.indirect.gather [hbm4b:s2+s8], $0x20, s16, s8, $0xb8;
	[tilespmem:$0x5400] =	vst v63  }
0x2f: {  	_ =	swait.ge [sflag:s13], $0x1000  }
0x30: {  	[sflag:s13] =	ssyncset.done $0x0  }
0x31: {  	[sflag:s13] =	ssyncadd.s32 $0xFFFFF000  }
0x32: {  	_ =	swait.ge [sflag:s13], $0x1000  }
0x33: {  	[sflag:s13] =	ssyncset.done $0x0  }
0x34: {  	[sflag:s13] =	ssyncadd.s32 $0xFFFFF000  }
0x35: {  	_ =	swait.ge [sflag:s13], $0x1000  }
0x36: {  	[sflag:s13] =	ssyncset.done $0x0  }
0x37: {  	[sflag:s13] =	ssyncadd.s32 $0xFFFFF000  }
0x38: {  	_ =	swait.ge [sflag:s13], $0x1000  }
.Ltmp0:
0x39: {  	[sflag:s13] =	ssyncset.done $0x0;
	(pc) =	sbr.rel @p0 .LBB2_2-.Ltmp0, $4  }
0x3a: {  	s16 =	sadd.s32 s15, s6;
	s15 =	smov.u32 s18;
	[sflag:s13] =	ssyncadd.s32 $0xFFFFF000  }
0x3b: {  	[hbm4b:s16+s3] =	stream.linear.scatter [tilespmem:s9], [sflag:$0x2], $0x4000, $0x38;
	[tilespmem:$0x5400] =	vst v63  }
0x3c: {  	_ =	swait.ge [sflag:s7], $0x4000  }
0x3d: {  	s16 =	smov.u32 s19;
	[sflag:s7] =	ssyncset.done $0x0  }
0x3e: {  	s16 =	sshra.s32 s15, $0x2;
	[sflag:s7] =	ssyncadd.s32 $0xFFFFC000  }
0x3f: {  	[tilespmem:s9], [sflag:$0x1] =	stream.indirect.gather [hbm4b:s2+s8], $0x20, s16, s8, $0xb8;
	[tilespmem:$0x5400] =	vst v63  }
0x40: {  	s17 =	sadd.s32 $0x80, s16  }
0x41: {  	[tilespmem:s10], [sflag:$0x1] =	stream.indirect.gather [hbm4b:s2+s8], $0x20, s17, s8, $0xb8;
	[tilespmem:$0x5400] =	vst v63  }
0x42: {  	s30 =	sadd.s32 $0x100, s16  }
0x43: {  	[tilespmem:s11], [sflag:$0x1] =	stream.indirect.gather [hbm4b:s2+s8], $0x20, s30, s8, $0xb8;
	[tilespmem:$0x5400] =	vst v63  }
0x44: {  	s16 =	sadd.s32 $0x180, s16  }
0x45: {  	[tilespmem:s12], [sflag:$0x1] =	stream.indirect.gather [hbm4b:s2+s8], $0x20, s16, s8, $0xb8;
	[tilespmem:$0x5400] =	vst v63  }
0x46: {  	_ =	swait.ge [sflag:s13], $0x1000  }
0x47: {  	[sflag:s13] =	ssyncset.done $0x0  }
0x48: {  	[sflag:s13] =	ssyncadd.s32 $0xFFFFF000  }
0x49: {  	_ =	swait.ge [sflag:s13], $0x1000  }
0x4a: {  	[sflag:s13] =	ssyncset.done $0x0  }
0x4b: {  	[sflag:s13] =	ssyncadd.s32 $0xFFFFF000  }
0x4c: {  	_ =	swait.ge [sflag:s13], $0x1000  }
0x4d: {  	[sflag:s13] =	ssyncset.done $0x0  }
0x4e: {  	[sflag:s13] =	ssyncadd.s32 $0xFFFFF000  }
0x4f: {  	s14 =	sadd.s32 $0x1, s14;
	_ =	swait.ge [sflag:s13], $0x1000  }
0x50: {  	p0 =	sne.s32 s14, s5;
	[sflag:s13] =	ssyncset.done $0x0  }
.Ltmp1:
0x51: {  	s31 =	sadd.s32 s15, s6;
	[sflag:s13] =	ssyncadd.s32 $0xFFFFF000;
	(pc) =	sbr.rel @p0 .LBB2_1-.Ltmp1, $4  }
0x52: {  	[hbm4b:s31+s3] =	stream.linear.scatter [tilespmem:s9], [sflag:$0x2], $0x4000, $0x38;
	[tilespmem:$0x5400] =	vst v63  }
0x53: {  	_ =	swait.ge [sflag:s7], $0x4000  }
0x54: {  	[sflag:s7] =	ssyncset.done $0x0  }
0x55: {  	[sflag:s7] =	ssyncadd.s32 $0xFFFFC000  }
0x56: {  	_ =	sfence.sel $0x180000  }
0x57: {  	[bflag:$0x0] =	sbarrier.arrive $0xFFFF  }
0x58: {  	p0 =	sne.s32 s0, $0x0;
	_ =	strace $0x9000004A  }
0x59: {  	s0 =	sadd.s32 @!p0 $0x100000, s1;
	[bflag:$0x2] =	sbarrier.arrive $0xFFFF  }
0x5a: {  	[sflag:s0] =	ssyncadd.tile.s32 @!p0 $0x1;
	_ =	shalt  }
.Lfunc_end2:
_tile_overlayer_lowered:
.L_overlay_start_2:
0x5b: {  	(tag) =	ssettag $0x2  }
0x5c: {  	s0 =	rddreg [dreg:$0x0];
	s2 =	stileid.u32  }
0x5d: {  	s1 =	rddreg [dreg:$0x1];
	p0 =	sne.s32 s2, $0x0  }
0x5e: {  	s3 =	rddreg [dreg:$0x2];
	[bflag:$0x3] =	sbarrier.arrive $0xFFFF;
	s2 =	simm.s32 @!p0 $0x1C02  }
0x5f: {  	[timem:s3], [sflag:s2] =	dma.local @!p0 [hbm:s0], s1  }
0x60: {  	s0 =	simm.s32 @!p0 $0x2  }
0x61: {  	_ =	swait.ge @!p0 [sflag:s0], s1  }
0x62: {  	s1 =	ssub.s32 @!p0 $0x0, s1;
	[sflag:s0] =	ssyncset.done @!p0 $0x0  }
0x63: {  	[sflag:s0] =	ssyncadd.s32 @!p0 s1  }
0x64: {  	[bflag:$0x3] =	sbarrier.arrive $0xFFFF  }
0x65: {  	_ =	shalt  }

// kernel: kernel.9.cloned.1.call-start
scs
__scs_entry_jumppad:
0x0: {  	(pc) =	sbr.rel $0x88, $3  }
0x1: {  	(tag) =	ssettag $0x0;
	lr =	simm.s32 $0x1  }
0x2: {  	[smem:$0x3F98] =	sst lr;
	_ =	strace $0xD0000000  }
0x3: {  	_ = 	snop  }
0x4: {  	_ = 	snop  }
0x5: {  	_ = 	snop  }
0x6: {  	_ = 	snop  }
0x7: {  	_ = 	snop  }
__scs_overlays_trampoline_lowered:
0x8: {  	[smem:$0x3FA7] =	sst s0  }
0x9: {  	[smem:$0x3FA8] =	sst s1  }
0xa: {  	[smem:$0x3FA9] =	sst s2  }
0xb: {  	[smem:$0x3FAA] =	sst s3  }
0xc: {  	[smem:$0x3FAB] =	sst s4  }
0xd: {  	[smem:$0x3FAC] =	sst s5  }
0xe: {  	[smem:$0x3FAD] =	sst s6  }
0xf: {  	[smem:$0x3FAE] =	sst s7  }
0x10: {  	[smem:$0x3FAF] =	sst s8  }
0x11: {  	[smem:$0x3FB0] =	sst s9;
	s0 =	simm.s32 @!p0 $0x0  }
0x12: {  	s1 =	sld [smem:$0x3F96];
	s0 =	simm.s32 @p0 $0x1  }
0x13: {  	[smem:$0x3FB1] =	sst s0;
	s0 =	simm.s32 @!p1 $0x0  }
0x14: {  	s2 =	sld [smem:$0x3F95];
	s0 =	simm.s32 @p1 $0x1  }
0x15: {  	[smem:$0x3FB2] =	sst s0;
	s0 =	simm.s32 @!p2 $0x0  }
0x16: {  	s3 =	sld [smem:$0x3FDB];
	s0 =	simm.s32 @p2 $0x1  }
0x17: {  	s4 =	simm.s32 $0x1BF5;
	[smem:$0x3FB4] =	sst s0  }
0x18: {  	s0 =	sld [smem:$0x3F97];
	_ =	swait.ge [sflag:s4], $0x0  }
0x19: {  	s7 =	sld [smem:$0x3F98]  }
0x1a: {  	s8 =	sadd.s32 $0xFFFFE003, lr  }
0x1b: {  	s9 =	sadd.s32 $0xFFFFFEF7, lr;
	s5 =	simm.s32 $0xFFFFFFFF;
	p2 =	slt.u32 s8, $0xFFFFF086  }
0x1c: {  	p1 =	slt.u32 s9, $0xF7A;
	s5 =	simm.s32 @!p2 $0x0  }
0x1d: {  	s5 =	simm.s32 @p1 $0x1;
	p0 =	seq.s32 s7, s2  }
0x1e: {  	s7 =	smul.u32 @!p0 $0xF7A, s2;
	p2 =	seq.s32 @!p0 s5, $0x0  }
0x1f: {  	s9 =	smul.u32 $0xF7A, s1;
	s8 =	simm.s32 @!p0 $0x1BF5;
	p2 =	por !p2, p0  }
0x20: {  	[sflag:s8] =	ssyncset.s32 @!p0 $0xFFFFF086;
	s6 =	sadd.s32 @!p0 s3, s7;
	s7 =	simm.s32 @!p0 $0x108  }
0x21: {  	s3 =	sadd.s32 s3, s9;
	s6 =	sadd.s32 @!p0 $0x88, s6;
	s7 =	simm.s32 @p2 $0x1082  }
0x22: {  	[simem:s7], [sflag:s8] =	dma.local @!p0 [hbm:s6], $0xF7A  }
0x23: {  	s9 =	sor.u32 $0xD0000000, s2;
	s6 =	simm.s32 $0x108;
	_ =	swait.ge @!p0 [sflag:s8], $0x0  }
0x24: {  	s3 =	sadd.s32 $0x88, s3;
	s6 =	simm.s32 @!p1 $0x1082;
	[sflag:s4] =	ssyncset.s32 $0xFFFFF086  }
0x25: {  	[simem:s6], [sflag:s4] =	dma.local [hbm:s3], $0xF7A  }
0x26: {  	[smem:$0x3F98] =	sst s1;
	(tag) =	ssettag s2;
	_ =	strace s9  }
0x27: {  	s1 =	sld [smem:$0x3FA8]  }
0x28: {  	s2 =	sld [smem:$0x3FA9]  }
0x29: {  	s4 =	sld [smem:$0x3FAB]  }
0x2a: {  	p0 =	seq.s32 s5, $0x0;
	s5 =	sld [smem:$0x3FAC]  }
0x2b: {  	s6 =	sld [smem:$0x3FAD]  }
0x2c: {  	s7 =	sld [smem:$0x3FAE]  }
0x2d: {  	s3 =	simm.s32 $0x108;
	s8 =	sld [smem:$0x3FAF]  }
0x2e: {  	s3 =	simm.s32 @!p0 $0x1082;
	s9 =	sld [smem:$0x3FB0]  }
0x2f: {  	lr =	sadd.s32 s0, s3;
	s0 =	sld [smem:$0x3FA7]  }
0x30: {  	s3 =	sld [smem:$0x3FAA]  }
0x31: {  	[smem:$0x3FB3] =	sst s10  }
0x32: {  	s10 =	sld [smem:$0x3FB1];
	_ =	sdelay $0x3  }
0x33: {  	p0 =	seq.s32 s10, $0x1;
	s10 =	sld [smem:$0x3FB3];
	_ =	sdelay $0x3  }
0x34: {  	[smem:$0x3FB3] =	sst s10  }
0x35: {  	s10 =	sld [smem:$0x3FB2];
	_ =	sdelay $0x3  }
0x36: {  	p1 =	seq.s32 s10, $0x1;
	s10 =	sld [smem:$0x3FB3];
	_ =	sdelay $0x3  }
0x37: {  	[smem:$0x3FB3] =	sst s10  }
0x38: {  	s10 =	sld [smem:$0x3FB4]  }
0x39: {  	_ = 	snop;
	(pc) =	sbr.ind lr, $3  }
0x3a: {  	_ = 	snop  }
0x3b: {  	_ = 	snop  }
0x3c: {  	p2 =	seq.s32 s10, $0x1;
	s10 =	sld [smem:$0x3FB3]  }
0x3d: {  	_ =	shalt  }
0x3e: {  	_ =	shalt  }
0x3f: {  	_ =	shalt  }
0x40: {  	_ =	shalt  }
0x41: {  	_ =	shalt  }
0x42: {  	_ =	shalt  }
0x43: {  	_ =	shalt  }
0x44: {  	_ =	shalt  }
0x45: {  	_ =	shalt  }
0x46: {  	_ =	shalt  }
0x47: {  	_ =	shalt  }
0x48: {  	_ =	shalt  }
0x49: {  	_ =	shalt  }
0x4a: {  	_ =	shalt  }
0x4b: {  	_ =	shalt  }
0x4c: {  	_ =	shalt  }
0x4d: {  	_ =	shalt  }
0x4e: {  	_ =	shalt  }
0x4f: {  	_ =	shalt  }
0x50: {  	_ =	shalt  }
0x51: {  	_ =	shalt  }
0x52: {  	_ =	shalt  }
0x53: {  	_ =	shalt  }
0x54: {  	_ =	shalt  }
0x55: {  	_ =	shalt  }
0x56: {  	_ =	shalt  }
0x57: {  	_ =	shalt  }
0x58: {  	_ =	shalt  }
0x59: {  	_ =	shalt  }
0x5a: {  	_ =	shalt  }
0x5b: {  	_ =	shalt  }
0x5c: {  	_ =	shalt  }
0x5d: {  	_ =	shalt  }
0x5e: {  	_ =	shalt  }
0x5f: {  	_ =	shalt  }
0x60: {  	_ =	shalt  }
0x61: {  	_ =	shalt  }
0x62: {  	_ =	shalt  }
0x63: {  	_ =	shalt  }
0x64: {  	_ =	shalt  }
0x65: {  	_ =	shalt  }
0x66: {  	_ =	shalt  }
0x67: {  	_ =	shalt  }
0x68: {  	_ =	shalt  }
0x69: {  	_ =	shalt  }
0x6a: {  	_ =	shalt  }
0x6b: {  	_ =	shalt  }
0x6c: {  	_ =	shalt  }
0x6d: {  	_ =	shalt  }
0x6e: {  	_ =	shalt  }
0x6f: {  	_ =	shalt  }
0x70: {  	_ =	shalt  }
0x71: {  	_ =	shalt  }
0x72: {  	_ =	shalt  }
0x73: {  	_ =	shalt  }
0x74: {  	_ =	shalt  }
0x75: {  	_ =	shalt  }
0x76: {  	_ =	shalt  }
0x77: {  	_ =	shalt  }
0x78: {  	_ =	shalt  }
0x79: {  	_ =	shalt  }
0x7a: {  	_ =	shalt  }
0x7b: {  	_ =	shalt  }
0x7c: {  	_ =	shalt  }
0x7d: {  	_ =	shalt  }
0x7e: {  	_ =	shalt  }
0x7f: {  	_ =	shalt  }
0x80: {  	_ =	shalt  }
0x81: {  	_ =	shalt  }
0x82: {  	_ =	shalt  }
0x83: {  	_ =	shalt  }
0x84: {  	_ =	shalt  }
0x85: {  	_ =	shalt  }
0x86: {  	_ =	shalt  }
0x87: {  	_ =	shalt  }
.Lfunc_end0:
.L_simem_size_0:
called_computation_lowered:
.L_overlay_start_0:
0x88: {  	s2 =	sld [smem:$0x3FD9]  }
0x89: {  	s3 =	sld [smem:$0x3FFE];
	_ =	sdelay $0x1  }
0x8a: {  	s1 =	srdreg.scid  }
0x8b: {  	s0 =	sand.u32 $0x1, s1  }
0x8c: {  	s17 =	sshll.u32 s0, $0xA;
	s2 =	sadd.s32 s3, s2  }
0x8d: {  	s2 =	sadd.s32 s2, s17  }
0x8e: {  	[smem:$0x3FBF] =	sst s2  }
0x8f: {  	_ = 	snop  }
0x90: {  	s2 =	sld [smem:$0x3FD0];
	(tm) =	ssettm $0x1  }
0x91: {  	s18 =	sld [smem:$0x3FFB];
	_ =	sdelay $0x3  }
0x92: {  	_ =	strace s18  }
0x93: {  	s3 =	sld [smem:$0x3FFC];
	_ =	sdelay $0x3  }
0x94: {  	_ =	strace s3  }
0x95: {  	s3 =	sld [smem:$0x3FFD];
	_ =	sdelay $0x3  }
0x96: {  	_ =	strace s3  }
0x97: {  	_ =	strace $0x8FFFFFFF  }
0x98: {  	s19 =	sld [smem:$0x3FDB];
	_ =	sdelay $0x1  }
0x99: {  	s4 =	simm.s32 $_scs_section_size  }
0x9a: {  	s5 =	simm.s32 $_size__tile_overlayer_lowered;
	s6 =	simm.s32 $_tile_overlayer_lowered  }
0x9b: {  	s22 =	simm.s32 $0x1BFF;
	s21 =	sshll.u32 s6, $0x1;
	s3 =	sadd.s32 s4, s19  }
0x9c: {  	s7 =	simm.s32 $0x0;
	s20 =	sshll.u32 s5, $0x1;
	s5 =	sadd.s32 s21, s3  }
0x9d: {  	[timem:s7], [sflag:s22] =	dma.local [hbm:s5], s20  }
0x9e: {  	_ =	swait.ge [sflag:s22], s20  }
0x9f: {  	s4 =	ssub.s32 $0x0, s20;
	[sflag:s22] =	ssyncset.done $0x0  }
0xa0: {  	[sflag:s22] =	ssyncadd.s32 s4;
	_ =	sdelay $0x1  }
0xa1: {  	s23 =	simm.s32 $0x1B8B  }
0xa2: {  	_ =	swait.ge [sflag:s23], $0x1  }
0xa3: {  	[sflag:s23] =	ssyncset.done $0x0  }
0xa4: {  	s25 =	simm.s32 $0x1B8E;
	s24 =	sld [smem:$0x3FFE];
	[sflag:s23] =	ssyncadd.s32 $0xFFFFFFFF  }
0xa5: {  	s26 =	simm.s32 $execute0_lowered;
	[smem:$0x3FD2] =	sst s25  }
0xa6: {  	s5 =	sshll.u32 s26, $0x1;
	_ =	strace $0x80000046;
	[dreg:$0x1] =	wrdreg $0xFFFFFFFF  }
0xa7: {  	s28 =	simm.s32 $_size_execute0_lowered;
	s3 =	sadd.s32 s3, s5;
	[dreg:$0x0] =	wrdreg $0x0  }
0xa8: {  	s5 =	sshll.u32 s28, $0x1;
	[dreg:$0x2] =	wrdreg s3  }
0xa9: {  	[dreg:$0x3] =	wrdreg s5  }
0xaa: {  	[dreg:$0x4] =	wrdreg $0xC0  }
0xab: {  	_ =	task [dreg:s7], $0x5FFFF  }
0xac: {  	[dreg:$0x1] =	wrdreg $0xFFFFFFFF  }
0xad: {  	[dreg:$0x0] =	wrdreg $0x60  }
0xae: {  	[dreg:$0x2] =	wrdreg s2  }
0xaf: {  	[dreg:$0x3] =	wrdreg s24  }
0xb0: {  	[dreg:$0x4] =	wrdreg $0x9  }
0xb1: {  	_ =	task.clear_ibuf [dreg:s7], $0x5FFFF;
	_ =	strace $0x90000046  }
0xb2: {  	s29 =	simm.s32 $0x9;
	_ =	strace $0x80000048  }
0xb3: {  	_ =	swait.ge [sflag:s29], $0x1  }
0xb4: {  	[sflag:s29] =	ssyncadd.s32 $0xFFFFFFFF  }
0xb5: {  	_ =	strace $0x90000048  }
0xb6: {  	_ =	sfence  }
0xb7: {  	s30 =	sld [smem:$0x0];
	_ =	sdelay $0x2  }
0xb8: {  	s31 =	sshll.u32 s1, $0xD;
	s1 =	sshrl.u32 s1, $0x2  }
0xb9: {  	s3 =	sand.u32 $0x4000, s31;
	s1 =	sadd.s32 s1, s30  }
0xba: {  	s0 =	sor.u32 s3, s0;
	s1 =	sshll.u32 s1, $0x11  }
0xbb: {  	s0 =	sor.u32 s1, s0  }
0xbc: {  	s0 =	sadd.s32 $0x8F2B, s0  }
0xbd: {  	[sflag:s0] =	ssyncadd.remote.s32 $0x1  }
0xbe: {  	_ =	sfence.sel $0xFFFF  }
0xbf: {  	[dreg:$0x0] =	wrdreg $0xFFFFFFFF;
	(pc) =	sbr.abs _section_cstart, $3  }
0xc0: {  	[dreg:$0x1] =	wrdreg $0xFFFFFFFF  }
0xc1: {  	_ =	task.clear_ibuf [dreg:s7], $0x2FFFF;
	_ =	strace $0x9FFFFFFF  }
0xc2: {  	(tm) =	ssettm $0x7FFFFFFF  }
0xc3: {  	_ =	shalt  }
tec
execute0_lowered:
.L_overlay_start_1:
0x0: {  	(tag) =	ssettag $0x1  }
0x1: {  	s2 =	rddreg [dreg:$0x0];
	s1 =	srdreg.scid  }
0x2: {  	s0 =	stileid.u32;
	s4 =	rddreg [dreg:$0x1];
	s3 =	simm.s32 $0x0  }
0x3: {  	s11 =	simm.s32 $0x2400;
	s12 =	simm.s32 $0x2C00;
	s13 =	simm.s32 $0x1  }
0x4: {  	s14 =	simm.s32 $0x0;
	s5 =	sand.u32 $0x1, s1;
	s1 =	rddreg [dreg:$0x2]  }
0x5: {  	s6 =	sshll.u32 s0, $0x1;
	[smem:$0x7FF] =	sst s3;
	s7 =	smul.u32 $0x5000, s0  }
0x6: {  	s6 =	sor.u32 s5, s6;
	s8 =	ssub.s32 $0x2, s5;
	s10 =	smul.u32 $0x2800, s5  }
0x7: {  	_ =	strace $0x80000047;
	s6 =	smul.u32 $0x1400, s6;
	s9 =	sshrl.u32 s8, $0x1  }
0x8: {  	s30 =	sadd.s32 s7, s4;
	s7 =	simm.s32 $0x2;
	s31 =	ssub.s32 s8, s9  }
0x9: {  	s8 =	simm.s32 $0x80;
	s9 =	simm.s32 $0x1400;
	s6 =	sshrl.u32 s6, $0x3  }
0xa: {  	s5 =	smax.u32 s31, $0x1;
	s29 =	sadd.s32 s6, s4;
	s6 =	sadd.s32 s10, s30  }
0xb: {  	s10 =	simm.s32 $0x1C00;
	s4 =	sadd.s32 $0x2200, s29;
	s6 =	sadd.s32 $0x7200, s6  }
.LBB2_1:
0xc: {  	[tilespmem:s3], [sflag:$0x2] =	stream.linear.gather [hbm4b:s4+s3], $0x1400, $0x38;
	[tilespmem:$0x3400] =	vst v63  }
0xd: {  	_ =	swait.ge [sflag:s7], $0x1400  }
0xe: {  	[sflag:s7] =	ssyncset.done $0x0  }
0xf: {  	s15 =	simm.s32 $0x0;
	[sflag:s7] =	ssyncadd.s32 $0xFFFFEC00  }
0x10: {  	[tilespmem:s9], [sflag:$0x1] =	stream.indirect.gather [hbm4b:s2+s8], $0x10, s15, s8, $0xb8;
	[tilespmem:$0x3400] =	vst v63  }
0x11: {  	s28 =	simm.s32 $0x80  }
0x12: {  	[tilespmem:s10], [sflag:$0x1] =	stream.indirect.gather [hbm4b:s2+s8], $0x10, s28, s8, $0xb8;
	[tilespmem:$0x3400] =	vst v63  }
0x13: {  	s29 =	simm.s32 $0x100  }
0x14: {  	[tilespmem:s11], [sflag:$0x1] =	stream.indirect.gather [hbm4b:s2+s8], $0x10, s29, s8, $0xb8;
	[tilespmem:$0x3400] =	vst v63  }
0x15: {  	s30 =	simm.s32 $0x180  }
0x16: {  	[tilespmem:s12], [sflag:$0x1] =	stream.indirect.gather [hbm4b:s2+s8], $0x10, s30, s8, $0xb8;
	[tilespmem:$0x3400] =	vst v63  }
0x17: {  	_ =	swait.ge [sflag:s13], $0x800  }
0x18: {  	[sflag:s13] =	ssyncset.done $0x0  }
0x19: {  	[sflag:s13] =	ssyncadd.s32 $0xFFFFF800  }
0x1a: {  	_ =	swait.ge [sflag:s13], $0x800  }
0x1b: {  	[sflag:s13] =	ssyncset.done $0x0  }
0x1c: {  	[sflag:s13] =	ssyncadd.s32 $0xFFFFF800  }
0x1d: {  	_ =	swait.ge [sflag:s13], $0x800  }
0x1e: {  	[sflag:s13] =	ssyncset.done $0x0  }
0x1f: {  	[sflag:s13] =	ssyncadd.s32 $0xFFFFF800  }
0x20: {  	_ =	swait.ge [sflag:s13], $0x800  }
0x21: {  	[sflag:s13] =	ssyncset.done $0x0  }
0x22: {  	s31 =	sadd.s32 $0x0, s6;
	[sflag:s13] =	ssyncadd.s32 $0xFFFFF800  }
0x23: {  	[hbm4b:s31+s3] =	stream.linear.scatter [tilespmem:s9], [sflag:$0x2], $0x2000, $0x38;
	[tilespmem:$0x3400] =	vst v63  }
0x24: {  	s17 =	simm.s32 $0x800;
	_ =	swait.ge [sflag:s7], $0x2000  }
0x25: {  	s16 =	simm.s32 $0x380;
	s15 =	simm.s32 $0x400;
	[sflag:s7] =	ssyncset.done $0x0  }
.LBB2_2:
0x26: {  	p0 =	sne.s32 s17, $0x2400;
	s18 =	sadd.s32 $0xFFFFFE80, s16;
	[sflag:s7] =	ssyncadd.s32 $0xFFFFE000  }
0x27: {  	[tilespmem:s9], [sflag:$0x1] =	stream.indirect.gather [hbm4b:s2+s8], $0x10, s18, s8, $0xb8;
	[tilespmem:$0x3400] =	vst v63  }
0x28: {  	s19 =	smov.u32 s17;
	s17 =	sadd.s32 $0x400, s17;
	s18 =	sadd.s32 $0xFFFFFF00, s16  }
0x29: {  	[tilespmem:s10], [sflag:$0x1] =	stream.indirect.gather [hbm4b:s2+s8], $0x10, s18, s8, $0xb8;
	[tilespmem:$0x3400] =	vst v63  }
0x2a: {  	s18 =	sadd.s32 $0xFFFFFF80, s16  }
0x2b: {  	[tilespmem:s11], [sflag:$0x1] =	stream.indirect.gather [hbm4b:s2+s8], $0x10, s18, s8, $0xb8;
	[tilespmem:$0x3400] =	vst v63  }
0x2c: {  	_ = 	snop  }
0x2d: {  	[tilespmem:s12], [sflag:$0x1] =	stream.indirect.gather [hbm4b:s2+s8], $0x10, s16, s8, $0xb8;
	[tilespmem:$0x3400] =	vst v63  }
0x2e: {  	_ =	swait.ge [sflag:s13], $0x800  }
0x2f: {  	[sflag:s13] =	ssyncset.done $0x0  }
0x30: {  	[sflag:s13] =	ssyncadd.s32 $0xFFFFF800  }
0x31: {  	_ =	swait.ge [sflag:s13], $0x800  }
0x32: {  	[sflag:s13] =	ssyncset.done $0x0  }
0x33: {  	[sflag:s13] =	ssyncadd.s32 $0xFFFFF800  }
0x34: {  	_ =	swait.ge [sflag:s13], $0x800  }
0x35: {  	[sflag:s13] =	ssyncset.done $0x0  }
0x36: {  	[sflag:s13] =	ssyncadd.s32 $0xFFFFF800  }
0x37: {  	_ =	swait.ge [sflag:s13], $0x800  }
.Ltmp0:
0x38: {  	[sflag:s13] =	ssyncset.done $0x0;
	(pc) =	sbr.rel @p0 .LBB2_2-.Ltmp0, $4  }
0x39: {  	s18 =	sadd.s32 s15, s6;
	s15 =	smov.u32 s19;
	[sflag:s13] =	ssyncadd.s32 $0xFFFFF800  }
0x3a: {  	[hbm4b:s18+s3] =	stream.linear.scatter [tilespmem:s9], [sflag:$0x2], $0x2000, $0x38;
	[tilespmem:$0x3400] =	vst v63  }
0x3b: {  	_ =	swait.ge [sflag:s7], $0x2000  }
0x3c: {  	s16 =	sadd.s32 $0x200, s16;
	[sflag:s7] =	ssyncset.done $0x0  }
0x3d: {  	s17 =	sadd.s32 $0xFFFFFE80, s16;
	[sflag:s7] =	ssyncadd.s32 $0xFFFFE000  }
0x3e: {  	[tilespmem:s9], [sflag:$0x1] =	stream.indirect.gather [hbm4b:s2+s8], $0x10, s17, s8, $0xb8;
	[tilespmem:$0x3400] =	vst v63  }
0x3f: {  	s30 =	sadd.s32 $0xFFFFFF00, s16  }
0x40: {  	[tilespmem:s10], [sflag:$0x1] =	stream.indirect.gather [hbm4b:s2+s8], $0x10, s30, s8, $0xb8;
	[tilespmem:$0x3400] =	vst v63  }
0x41: {  	s31 =	sadd.s32 $0xFFFFFF80, s16  }
0x42: {  	[tilespmem:s11], [sflag:$0x1] =	stream.indirect.gather [hbm4b:s2+s8], $0x10, s31, s8, $0xb8;
	[tilespmem:$0x3400] =	vst v63  }
0x43: {  	_ = 	snop  }
0x44: {  	[tilespmem:s12], [sflag:$0x1] =	stream.indirect.gather [hbm4b:s2+s8], $0x10, s16, s8, $0xb8;
	[tilespmem:$0x3400] =	vst v63  }
0x45: {  	_ =	swait.ge [sflag:s13], $0x800  }
0x46: {  	[sflag:s13] =	ssyncset.done $0x0  }
0x47: {  	[sflag:s13] =	ssyncadd.s32 $0xFFFFF800  }
0x48: {  	_ =	swait.ge [sflag:s13], $0x800  }
0x49: {  	[sflag:s13] =	ssyncset.done $0x0  }
0x4a: {  	[sflag:s13] =	ssyncadd.s32 $0xFFFFF800  }
0x4b: {  	_ =	swait.ge [sflag:s13], $0x800  }
0x4c: {  	[sflag:s13] =	ssyncset.done $0x0  }
0x4d: {  	[sflag:s13] =	ssyncadd.s32 $0xFFFFF800  }
0x4e: {  	s14 =	sadd.s32 $0x1, s14;
	_ =	swait.ge [sflag:s13], $0x800  }
0x4f: {  	p0 =	sne.s32 s14, s5;
	[sflag:s13] =	ssyncset.done $0x0  }
.Ltmp1:
0x50: {  	s15 =	sadd.s32 s15, s6;
	[sflag:s13] =	ssyncadd.s32 $0xFFFFF800;
	(pc) =	sbr.rel @p0 .LBB2_1-.Ltmp1, $4  }
0x51: {  	[hbm4b:s15+s3] =	stream.linear.scatter [tilespmem:s9], [sflag:$0x2], $0x2000, $0x38;
	[tilespmem:$0x3400] =	vst v63  }
0x52: {  	_ =	swait.ge [sflag:s7], $0x2000  }
0x53: {  	[sflag:s7] =	ssyncset.done $0x0  }
0x54: {  	[sflag:s7] =	ssyncadd.s32 $0xFFFFE000  }
0x55: {  	_ =	sfence.sel $0x180000  }
0x56: {  	[bflag:$0x0] =	sbarrier.arrive $0xFFFF  }
0x57: {  	p0 =	sne.s32 s0, $0x0;
	_ =	strace $0x90000047  }
0x58: {  	s0 =	sadd.s32 @!p0 $0x100000, s1;
	[bflag:$0x2] =	sbarrier.arrive $0xFFFF  }
0x59: {  	[sflag:s0] =	ssyncadd.tile.s32 @!p0 $0x1;
	_ =	shalt  }
.Lfunc_end2:
_tile_overlayer_lowered:
.L_overlay_start_2:
0x5a: {  	(tag) =	ssettag $0x2  }
0x5b: {  	s0 =	rddreg [dreg:$0x0];
	s2 =	stileid.u32  }
0x5c: {  	s1 =	rddreg [dreg:$0x1];
	p0 =	sne.s32 s2, $0x0  }
0x5d: {  	s3 =	rddreg [dreg:$0x2];
	[bflag:$0x3] =	sbarrier.arrive $0xFFFF;
	s2 =	simm.s32 @!p0 $0x1C02  }
0x5e: {  	[timem:s3], [sflag:s2] =	dma.local @!p0 [hbm:s0], s1  }
0x5f: {  	s0 =	simm.s32 @!p0 $0x2  }
0x60: {  	_ =	swait.ge @!p0 [sflag:s0], s1  }
0x61: {  	s1 =	ssub.s32 @!p0 $0x0, s1;
	[sflag:s0] =	ssyncset.done @!p0 $0x0  }
0x62: {  	[sflag:s0] =	ssyncadd.s32 @!p0 s1  }
0x63: {  	[bflag:$0x3] =	sbarrier.arrive $0xFFFF  }
0x64: {  	_ =	shalt  }

</sc_bundles>
